<compile_context>
chip_gen: v7x
topology: tpu7x:2x2x1
jax: 0.10.2.dev20260603
libtpu: 0.0.44.dev20260713+nightly
codegen_flags: <defaults>
</compile_context>

<pallas_src>
import functools

import jax
import jax.numpy as jnp
from jax import lax
from jax.experimental import pallas as pl
from jax.experimental.pallas import tpu as pltpu
from jax.experimental.pallas import tpu_sc as plsc

_SEQ = 200
_BATCH = 4096
_EMBED = 64
_HIDDEN = 256
_OUT = 2

_NC = 2
_NS = 16
_NW = _NC * _NS
_BPW = _BATCH // _NW
_NBUF = 10
_STEPS = _SEQ // _NBUF

_mesh = plsc.VectorSubcoreMesh(core_axis_name="c", subcore_axis_name="s")


@functools.partial(
    pl.kernel,
    mesh=_mesh,
    compiler_params=pltpu.CompilerParams(use_tc_tiling_on_sc=False),
    out_type=jax.ShapeDtypeStruct((_BATCH, _EMBED), jnp.float32),
    scratch_types=[
        pltpu.VMEM((_SEQ, _BPW), jnp.int32),
        pltpu.VMEM((_NBUF, _BPW, _EMBED), jnp.float32),
        pltpu.VMEM((_BPW, _EMBED), jnp.float32),
    ]
    + [pltpu.SemaphoreType.DMA] * _NBUF,
)
def _sc_pool(x_hbm, table_hbm, out_hbm, idx_v, acc_v, sum_v, *sems):
    wid = lax.axis_index("s") * _NC + lax.axis_index("c")
    base = wid * _BPW

    pltpu.sync_copy(x_hbm.at[:, pl.ds(base, _BPW)], idx_v)

    for b in range(_NBUF):
        pltpu.async_copy(table_hbm.at[idx_v.at[b]], acc_v.at[b], sems[b])

    def step(g, carry):
        for b in range(_NBUF):
            s = g * _NBUF + b
            pltpu.make_async_copy(
                table_hbm.at[idx_v.at[s]], acc_v.at[b], sems[b]
            ).wait()
            pltpu.async_copy(
                table_hbm.at[idx_v.at[s]], acc_v.at[b], sems[b], add=True
            )
        return carry

    lax.fori_loop(1, _STEPS, step, 0, unroll=False)

    for b in range(_NBUF):
        pltpu.make_async_copy(
            table_hbm.at[idx_v.at[b]], acc_v.at[b], sems[b]
        ).wait()

    def combine(r, carry):
        for j in range(_EMBED // 16):
            sl = pl.ds(j * 16, 16)
            v = acc_v[0, r, sl]
            for b in range(1, _NBUF):
                v = v + acc_v[b, r, sl]
            sum_v[r, sl] = v
        return carry

    lax.fori_loop(0, _BPW, combine, 0, unroll=False)

    pltpu.sync_copy(sum_v, out_hbm.at[pl.ds(base, _BPW)])


def _mlp_body(sums_ref, w1_ref, b1_ref, w2_ref, b2_ref, out_ref):
    h = jnp.dot(sums_ref[...], w1_ref[...], preferred_element_type=jnp.float32)
    h = jnp.maximum(h + b1_ref[...], 0.0)
    out_ref[...] = (
        jnp.dot(h, w2_ref[...], preferred_element_type=jnp.float32)
        + b2_ref[...]
    )


_BB = 512


def _mlp(sums, w1s, b1, w2, b2):
    return pl.pallas_call(
        _mlp_body,
        out_shape=jax.ShapeDtypeStruct((_BATCH, _OUT), jnp.float32),
        grid=(_BATCH // _BB,),
        in_specs=[
            pl.BlockSpec((_BB, _EMBED), lambda i: (i, 0)),
            pl.BlockSpec((_EMBED, _HIDDEN), lambda i: (0, 0)),
            pl.BlockSpec((1, _HIDDEN), lambda i: (0, 0)),
            pl.BlockSpec((_HIDDEN, _OUT), lambda i: (0, 0)),
            pl.BlockSpec((1, _OUT), lambda i: (0, 0)),
        ],
        out_specs=pl.BlockSpec((_BB, _OUT), lambda i: (i, 0)),
    )(sums, w1s, b1, w2, b2)


def kernel(x, table, W1, b1, W2, b2):
    sums = _sc_pool(x, table)
    w1s = W1 * jnp.float32(1.0 / _SEQ)
    return _mlp(sums, w1s, b1.reshape(1, _HIDDEN), W2, b2.reshape(1, _OUT))

# --- scband reference (transcript-rebuilt; emitter-appended) ---
"""Pipeline reference for scband-swem-7198365188287 (READ-ONLY COPY).

The authoritative reference and input builder live on the scoring server;
editing this copy changes nothing except your own understanding.
"""

import jax, jax.numpy as jnp
import numpy as np

VOCAB = 1000000
EMBED = 64
HIDDEN = 256
OUT = 2
SEQ = 200
BATCH = 4096


def setup_inputs(seed: int = 0) -> dict:
    key = jax.random.key(seed)
    k_x, k_tab, k_w1, k_b1, k_w2, k_b2 = jax.random.split(key, 6)
    x = jax.random.randint(k_x, (SEQ, BATCH), 0, VOCAB, dtype=jnp.int64 if jax.config.read('jax_enable_x64') else jnp.int32)
    table = jax.random.normal(k_tab, (VOCAB, EMBED), dtype=jnp.float32)
    W1 = jax.random.normal(k_w1, (EMBED, HIDDEN), dtype=jnp.float32) * (1.0 / np.sqrt(EMBED))
    b1 = jax.random.normal(k_b1, (HIDDEN,), dtype=jnp.float32) * 0.01
    W2 = jax.random.normal(k_w2, (HIDDEN, OUT), dtype=jnp.float32) * (1.0 / np.sqrt(HIDDEN))
    b2 = jax.random.normal(k_b2, (OUT,), dtype=jnp.float32) * 0.01
    return {"x": x, "table": table, "W1": W1, "b1": b1, "W2": W2, "b2": b2}


def reference(x, table, W1, b1, W2, b2):
    # embedding lookup (gather): [SEQ, BATCH, EMBED]
    embed = jnp.take(table, x, axis=0)
    # mean over dim 0 (sequence dimension): [BATCH, EMBED]
    embed_mean = jnp.mean(embed, axis=0)
    h = embed_mean @ W1 + b1
    h = jax.nn.relu(h)
    h = h @ W2 + b2
    return h

if __name__ == "__main__":
    import jax
    _d = setup_inputs()
    print(jax.jit(kernel)(*tuple(_d.values())))

</pallas_src>

<mosaic_0001>
#map = affine_map<(d0, d1) -> (0, 0)>
module attributes {stable_mosaic.version = 14 : i64} {
  func.func @_sc_pool(%arg0: i32, %arg1: i32, %arg2: memref<200x4096xi32, #tpu.memory_space<hbm>>, %arg3: memref<1000000x64xf32, #tpu.memory_space<hbm>>, %arg4: memref<4096x64xf32, #tpu.memory_space<hbm>>, %arg5: memref<200x128xi32, #tpu.memory_space<vmem>>, %arg6: memref<10x128x64xf32, #tpu.memory_space<vmem>>, %arg7: memref<128x64xf32, #tpu.memory_space<vmem>>, %arg8: memref<!tpu.dma_semaphore, #tpu.memory_space<semaphore_mem>>, %arg9: memref<!tpu.dma_semaphore, #tpu.memory_space<semaphore_mem>>, %arg10: memref<!tpu.dma_semaphore, #tpu.memory_space<semaphore_mem>>, %arg11: memref<!tpu.dma_semaphore, #tpu.memory_space<semaphore_mem>>, %arg12: memref<!tpu.dma_semaphore, #tpu.memory_space<semaphore_mem>>, %arg13: memref<!tpu.dma_semaphore, #tpu.memory_space<semaphore_mem>>, %arg14: memref<!tpu.dma_semaphore, #tpu.memory_space<semaphore_mem>>, %arg15: memref<!tpu.dma_semaphore, #tpu.memory_space<semaphore_mem>>, %arg16: memref<!tpu.dma_semaphore, #tpu.memory_space<semaphore_mem>>, %arg17: memref<!tpu.dma_semaphore, #tpu.memory_space<semaphore_mem>>) attributes {dimension_semantics = [#tpu.dimension_semantics<core_parallel>, #tpu.dimension_semantics<subcore_parallel>], iteration_bounds = array<i64: 2, 16>, scalar_prefetch = 0 : i64, scratch_operands = 13 : i64, tpu.core_type = #tpu.core_type<sc_vector_subcore>, window_params = [{transform_indices = #map}, {transform_indices = #map}, {transform_indices = #map}]} {
    %mul3A = arith.constant 2 : i32
    %mul3A_0 = arith.muli %arg1, %mul3A : i32
    %add3A = arith.addi %mul3A_0, %arg0 : i32
    %mul3A_1 = arith.constant 128 : i32
    %mul3A_2 = arith.muli %add3A, %mul3A_1 : i32
    "tpu.region"() ({
      %run_scoped3A = tpu.sem_alloc : memref<!tpu.dma_semaphore, #tpu.memory_space<semaphore_mem>>
      %dma_start3A_252 = arith.constant 0 : i32
      %dma_start3A_253 = tpu.memref_slice %arg2[%dma_start3A_252, %mul3A_2] : memref<200x4096xi32, #tpu.memory_space<hbm>> -> memref<200x128xi32, #tpu.memory_space<hbm>>
      %dma_start3A_254 = arith.constant 0 : i32
      %dma_start3A_255 = tpu.memref_slice %arg2[%dma_start3A_254, %mul3A_2] : memref<200x4096xi32, #tpu.memory_space<hbm>> -> memref<200x128xi32, #tpu.memory_space<hbm>>
      tpu.enqueue_dma source(%dma_start3A_255 : memref<200x128xi32, #tpu.memory_space<hbm>>) target(%arg5 : memref<200x128xi32, #tpu.memory_space<vmem>>) target_semaphore(%run_scoped3A : memref<!tpu.dma_semaphore, #tpu.memory_space<semaphore_mem>>)
      %dma_wait3A_256 = arith.constant 0 : i32
      %dma_wait3A_257 = tpu.memref_slice %arg2[%dma_wait3A_256, %mul3A_2] : memref<200x4096xi32, #tpu.memory_space<hbm>> -> memref<200x128xi32, #tpu.memory_space<hbm>>
      %dma_wait3A_258 = arith.constant 0 : i32
      %dma_wait3A_259 = tpu.memref_slice %arg2[%dma_wait3A_258, %mul3A_2] : memref<200x4096xi32, #tpu.memory_space<hbm>> -> memref<200x128xi32, #tpu.memory_space<hbm>>
      tpu.wait_dma2 semaphore(%run_scoped3A : memref<!tpu.dma_semaphore, #tpu.memory_space<semaphore_mem>>) src(%dma_wait3A_259 : memref<200x128xi32, #tpu.memory_space<hbm>>) dst(%arg5 : memref<200x128xi32, #tpu.memory_space<vmem>>)
      tpu.yield
    }) : () -> ()
    %dma_start3A = arith.constant 0 : i32
    %dma_start3A_3 = arith.constant 0 : i32
    %dma_start3A_4 = arith.constant 0 : i32
    %dma_start3A_5 = arith.constant 0 : i32
    %dma_start3A_6 = tpu.memref_slice %arg6[%dma_start3A_3, %dma_start3A_4, %dma_start3A_5] : memref<10x128x64xf32, #tpu.memory_space<vmem>> -> memref<1x128x64xf32, #tpu.memory_space<vmem>>
    %dma_start3A_7 = tpu.memref_squeeze %dma_start3A_6 : memref<1x128x64xf32, #tpu.memory_space<vmem>> -> memref<128x64xf32, #tpu.memory_space<vmem>>
    %dma_start3A_8 = arith.constant 0 : i32
    %dma_start3A_9 = tpu.memref_slice %arg5[%dma_start3A, %dma_start3A_8] : memref<200x128xi32, #tpu.memory_space<vmem>> -> memref<1x128xi32, #tpu.memory_space<vmem>>
    %dma_start3A_10 = tpu.memref_squeeze %dma_start3A_9 : memref<1x128xi32, #tpu.memory_space<vmem>> -> memref<128xi32, #tpu.memory_space<vmem>>
    %dma_start3A_11 = arith.constant 0 : i32
    %dma_start3A_12 = arith.constant 0 : i32
    %dma_start3A_13 = tpu.memref_slice %arg3[%dma_start3A_11, %dma_start3A_12] : memref<1000000x64xf32, #tpu.memory_space<hbm>> -> memref<1000000x64xf32, #tpu.memory_space<hbm>>
    tpu.enqueue_indirect_dma source(%dma_start3A_13 : memref<1000000x64xf32, #tpu.memory_space<hbm>>) target(%dma_start3A_7 : memref<128x64xf32, #tpu.memory_space<vmem>>) offsets(%dma_start3A_10 : memref<128xi32, #tpu.memory_space<vmem>>) semaphore(%arg8 : memref<!tpu.dma_semaphore, #tpu.memory_space<semaphore_mem>>)
    %dma_start3A_14 = arith.constant 1 : i32
    %dma_start3A_15 = arith.constant 1 : i32
    %dma_start3A_16 = arith.constant 0 : i32
    %dma_start3A_17 = arith.constant 0 : i32
    %dma_start3A_18 = tpu.memref_slice %arg6[%dma_start3A_15, %dma_start3A_16, %dma_start3A_17] : memref<10x128x64xf32, #tpu.memory_space<vmem>> -> memref<1x128x64xf32, #tpu.memory_space<vmem>>
    %dma_start3A_19 = tpu.memref_squeeze %dma_start3A_18 : memref<1x128x64xf32, #tpu.memory_space<vmem>> -> memref<128x64xf32, #tpu.memory_space<vmem>>
    %dma_start3A_20 = arith.constant 0 : i32
    %dma_start3A_21 = tpu.memref_slice %arg5[%dma_start3A_14, %dma_start3A_20] : memref<200x128xi32, #tpu.memory_space<vmem>> -> memref<1x128xi32, #tpu.memory_space<vmem>>
    %dma_start3A_22 = tpu.memref_squeeze %dma_start3A_21 : memref<1x128xi32, #tpu.memory_space<vmem>> -> memref<128xi32, #tpu.memory_space<vmem>>
    %dma_start3A_23 = arith.constant 0 : i32
    %dma_start3A_24 = arith.constant 0 : i32
    %dma_start3A_25 = tpu.memref_slice %arg3[%dma_start3A_23, %dma_start3A_24] : memref<1000000x64xf32, #tpu.memory_space<hbm>> -> memref<1000000x64xf32, #tpu.memory_space<hbm>>
    tpu.enqueue_indirect_dma source(%dma_start3A_25 : memref<1000000x64xf32, #tpu.memory_space<hbm>>) target(%dma_start3A_19 : memref<128x64xf32, #tpu.memory_space<vmem>>) offsets(%dma_start3A_22 : memref<128xi32, #tpu.memory_space<vmem>>) semaphore(%arg9 : memref<!tpu.dma_semaphore, #tpu.memory_space<semaphore_mem>>)
    %dma_start3A_26 = arith.constant 2 : i32
    %dma_start3A_27 = arith.constant 2 : i32
    %dma_start3A_28 = arith.constant 0 : i32
    %dma_start3A_29 = arith.constant 0 : i32
    %dma_start3A_30 = tpu.memref_slice %arg6[%dma_start3A_27, %dma_start3A_28, %dma_start3A_29] : memref<10x128x64xf32, #tpu.memory_space<vmem>> -> memref<1x128x64xf32, #tpu.memory_space<vmem>>
    %dma_start3A_31 = tpu.memref_squeeze %dma_start3A_30 : memref<1x128x64xf32, #tpu.memory_space<vmem>> -> memref<128x64xf32, #tpu.memory_space<vmem>>
    %dma_start3A_32 = arith.constant 0 : i32
    %dma_start3A_33 = tpu.memref_slice %arg5[%dma_start3A_26, %dma_start3A_32] : memref<200x128xi32, #tpu.memory_space<vmem>> -> memref<1x128xi32, #tpu.memory_space<vmem>>
    %dma_start3A_34 = tpu.memref_squeeze %dma_start3A_33 : memref<1x128xi32, #tpu.memory_space<vmem>> -> memref<128xi32, #tpu.memory_space<vmem>>
    %dma_start3A_35 = arith.constant 0 : i32
    %dma_start3A_36 = arith.constant 0 : i32
    %dma_start3A_37 = tpu.memref_slice %arg3[%dma_start3A_35, %dma_start3A_36] : memref<1000000x64xf32, #tpu.memory_space<hbm>> -> memref<1000000x64xf32, #tpu.memory_space<hbm>>
    tpu.enqueue_indirect_dma source(%dma_start3A_37 : memref<1000000x64xf32, #tpu.memory_space<hbm>>) target(%dma_start3A_31 : memref<128x64xf32, #tpu.memory_space<vmem>>) offsets(%dma_start3A_34 : memref<128xi32, #tpu.memory_space<vmem>>) semaphore(%arg10 : memref<!tpu.dma_semaphore, #tpu.memory_space<semaphore_mem>>)
    %dma_start3A_38 = arith.constant 3 : i32
    %dma_start3A_39 = arith.constant 3 : i32
    %dma_start3A_40 = arith.constant 0 : i32
    %dma_start3A_41 = arith.constant 0 : i32
    %dma_start3A_42 = tpu.memref_slice %arg6[%dma_start3A_39, %dma_start3A_40, %dma_start3A_41] : memref<10x128x64xf32, #tpu.memory_space<vmem>> -> memref<1x128x64xf32, #tpu.memory_space<vmem>>
    %dma_start3A_43 = tpu.memref_squeeze %dma_start3A_42 : memref<1x128x64xf32, #tpu.memory_space<vmem>> -> memref<128x64xf32, #tpu.memory_space<vmem>>
    %dma_start3A_44 = arith.constant 0 : i32
    %dma_start3A_45 = tpu.memref_slice %arg5[%dma_start3A_38, %dma_start3A_44] : memref<200x128xi32, #tpu.memory_space<vmem>> -> memref<1x128xi32, #tpu.memory_space<vmem>>
    %dma_start3A_46 = tpu.memref_squeeze %dma_start3A_45 : memref<1x128xi32, #tpu.memory_space<vmem>> -> memref<128xi32, #tpu.memory_space<vmem>>
    %dma_start3A_47 = arith.constant 0 : i32
    %dma_start3A_48 = arith.constant 0 : i32
    %dma_start3A_49 = tpu.memref_slice %arg3[%dma_start3A_47, %dma_start3A_48] : memref<1000000x64xf32, #tpu.memory_space<hbm>> -> memref<1000000x64xf32, #tpu.memory_space<hbm>>
    tpu.enqueue_indirect_dma source(%dma_start3A_49 : memref<1000000x64xf32, #tpu.memory_space<hbm>>) target(%dma_start3A_43 : memref<128x64xf32, #tpu.memory_space<vmem>>) offsets(%dma_start3A_46 : memref<128xi32, #tpu.memory_space<vmem>>) semaphore(%arg11 : memref<!tpu.dma_semaphore, #tpu.memory_space<semaphore_mem>>)
    %dma_start3A_50 = arith.constant 4 : i32
    %dma_start3A_51 = arith.constant 4 : i32
    %dma_start3A_52 = arith.constant 0 : i32
    %dma_start3A_53 = arith.constant 0 : i32
    %dma_start3A_54 = tpu.memref_slice %arg6[%dma_start3A_51, %dma_start3A_52, %dma_start3A_53] : memref<10x128x64xf32, #tpu.memory_space<vmem>> -> memref<1x128x64xf32, #tpu.memory_space<vmem>>
    %dma_start3A_55 = tpu.memref_squeeze %dma_start3A_54 : memref<1x128x64xf32, #tpu.memory_space<vmem>> -> memref<128x64xf32, #tpu.memory_space<vmem>>
    %dma_start3A_56 = arith.constant 0 : i32
    %dma_start3A_57 = tpu.memref_slice %arg5[%dma_start3A_50, %dma_start3A_56] : memref<200x128xi32, #tpu.memory_space<vmem>> -> memref<1x128xi32, #tpu.memory_space<vmem>>
    %dma_start3A_58 = tpu.memref_squeeze %dma_start3A_57 : memref<1x128xi32, #tpu.memory_space<vmem>> -> memref<128xi32, #tpu.memory_space<vmem>>
    %dma_start3A_59 = arith.constant 0 : i32
    %dma_start3A_60 = arith.constant 0 : i32
    %dma_start3A_61 = tpu.memref_slice %arg3[%dma_start3A_59, %dma_start3A_60] : memref<1000000x64xf32, #tpu.memory_space<hbm>> -> memref<1000000x64xf32, #tpu.memory_space<hbm>>
    tpu.enqueue_indirect_dma source(%dma_start3A_61 : memref<1000000x64xf32, #tpu.memory_space<hbm>>) target(%dma_start3A_55 : memref<128x64xf32, #tpu.memory_space<vmem>>) offsets(%dma_start3A_58 : memref<128xi32, #tpu.memory_space<vmem>>) semaphore(%arg12 : memref<!tpu.dma_semaphore, #tpu.memory_space<semaphore_mem>>)
    %dma_start3A_62 = arith.constant 5 : i32
    %dma_start3A_63 = arith.constant 5 : i32
    %dma_start3A_64 = arith.constant 0 : i32
    %dma_start3A_65 = arith.constant 0 : i32
    %dma_start3A_66 = tpu.memref_slice %arg6[%dma_start3A_63, %dma_start3A_64, %dma_start3A_65] : memref<10x128x64xf32, #tpu.memory_space<vmem>> -> memref<1x128x64xf32, #tpu.memory_space<vmem>>
    %dma_start3A_67 = tpu.memref_squeeze %dma_start3A_66 : memref<1x128x64xf32, #tpu.memory_space<vmem>> -> memref<128x64xf32, #tpu.memory_space<vmem>>
    %dma_start3A_68 = arith.constant 0 : i32
    %dma_start3A_69 = tpu.memref_slice %arg5[%dma_start3A_62, %dma_start3A_68] : memref<200x128xi32, #tpu.memory_space<vmem>> -> memref<1x128xi32, #tpu.memory_space<vmem>>
    %dma_start3A_70 = tpu.memref_squeeze %dma_start3A_69 : memref<1x128xi32, #tpu.memory_space<vmem>> -> memref<128xi32, #tpu.memory_space<vmem>>
    %dma_start3A_71 = arith.constant 0 : i32
    %dma_start3A_72 = arith.constant 0 : i32
    %dma_start3A_73 = tpu.memref_slice %arg3[%dma_start3A_71, %dma_start3A_72] : memref<1000000x64xf32, #tpu.memory_space<hbm>> -> memref<1000000x64xf32, #tpu.memory_space<hbm>>
    tpu.enqueue_indirect_dma source(%dma_start3A_73 : memref<1000000x64xf32, #tpu.memory_space<hbm>>) target(%dma_start3A_67 : memref<128x64xf32, #tpu.memory_space<vmem>>) offsets(%dma_start3A_70 : memref<128xi32, #tpu.memory_space<vmem>>) semaphore(%arg13 : memref<!tpu.dma_semaphore, #tpu.memory_space<semaphore_mem>>)
    %dma_start3A_74 = arith.constant 6 : i32
    %dma_start3A_75 = arith.constant 6 : i32
    %dma_start3A_76 = arith.constant 0 : i32
    %dma_start3A_77 = arith.constant 0 : i32
    %dma_start3A_78 = tpu.memref_slice %arg6[%dma_start3A_75, %dma_start3A_76, %dma_start3A_77] : memref<10x128x64xf32, #tpu.memory_space<vmem>> -> memref<1x128x64xf32, #tpu.memory_space<vmem>>
    %dma_start3A_79 = tpu.memref_squeeze %dma_start3A_78 : memref<1x128x64xf32, #tpu.memory_space<vmem>> -> memref<128x64xf32, #tpu.memory_space<vmem>>
    %dma_start3A_80 = arith.constant 0 : i32
    %dma_start3A_81 = tpu.memref_slice %arg5[%dma_start3A_74, %dma_start3A_80] : memref<200x128xi32, #tpu.memory_space<vmem>> -> memref<1x128xi32, #tpu.memory_space<vmem>>
    %dma_start3A_82 = tpu.memref_squeeze %dma_start3A_81 : memref<1x128xi32, #tpu.memory_space<vmem>> -> memref<128xi32, #tpu.memory_space<vmem>>
    %dma_start3A_83 = arith.constant 0 : i32
    %dma_start3A_84 = arith.constant 0 : i32
    %dma_start3A_85 = tpu.memref_slice %arg3[%dma_start3A_83, %dma_start3A_84] : memref<1000000x64xf32, #tpu.memory_space<hbm>> -> memref<1000000x64xf32, #tpu.memory_space<hbm>>
    tpu.enqueue_indirect_dma source(%dma_start3A_85 : memref<1000000x64xf32, #tpu.memory_space<hbm>>) target(%dma_start3A_79 : memref<128x64xf32, #tpu.memory_space<vmem>>) offsets(%dma_start3A_82 : memref<128xi32, #tpu.memory_space<vmem>>) semaphore(%arg14 : memref<!tpu.dma_semaphore, #tpu.memory_space<semaphore_mem>>)
    %dma_start3A_86 = arith.constant 7 : i32
    %dma_start3A_87 = arith.constant 7 : i32
    %dma_start3A_88 = arith.constant 0 : i32
    %dma_start3A_89 = arith.constant 0 : i32
    %dma_start3A_90 = tpu.memref_slice %arg6[%dma_start3A_87, %dma_start3A_88, %dma_start3A_89] : memref<10x128x64xf32, #tpu.memory_space<vmem>> -> memref<1x128x64xf32, #tpu.memory_space<vmem>>
    %dma_start3A_91 = tpu.memref_squeeze %dma_start3A_90 : memref<1x128x64xf32, #tpu.memory_space<vmem>> -> memref<128x64xf32, #tpu.memory_space<vmem>>
    %dma_start3A_92 = arith.constant 0 : i32
    %dma_start3A_93 = tpu.memref_slice %arg5[%dma_start3A_86, %dma_start3A_92] : memref<200x128xi32, #tpu.memory_space<vmem>> -> memref<1x128xi32, #tpu.memory_space<vmem>>
    %dma_start3A_94 = tpu.memref_squeeze %dma_start3A_93 : memref<1x128xi32, #tpu.memory_space<vmem>> -> memref<128xi32, #tpu.memory_space<vmem>>
    %dma_start3A_95 = arith.constant 0 : i32
    %dma_start3A_96 = arith.constant 0 : i32
    %dma_start3A_97 = tpu.memref_slice %arg3[%dma_start3A_95, %dma_start3A_96] : memref<1000000x64xf32, #tpu.memory_space<hbm>> -> memref<1000000x64xf32, #tpu.memory_space<hbm>>
    tpu.enqueue_indirect_dma source(%dma_start3A_97 : memref<1000000x64xf32, #tpu.memory_space<hbm>>) target(%dma_start3A_91 : memref<128x64xf32, #tpu.memory_space<vmem>>) offsets(%dma_start3A_94 : memref<128xi32, #tpu.memory_space<vmem>>) semaphore(%arg15 : memref<!tpu.dma_semaphore, #tpu.memory_space<semaphore_mem>>)
    %dma_start3A_98 = arith.constant 8 : i32
    %dma_start3A_99 = arith.constant 8 : i32
    %dma_start3A_100 = arith.constant 0 : i32
    %dma_start3A_101 = arith.constant 0 : i32
    %dma_start3A_102 = tpu.memref_slice %arg6[%dma_start3A_99, %dma_start3A_100, %dma_start3A_101] : memref<10x128x64xf32, #tpu.memory_space<vmem>> -> memref<1x128x64xf32, #tpu.memory_space<vmem>>
    %dma_start3A_103 = tpu.memref_squeeze %dma_start3A_102 : memref<1x128x64xf32, #tpu.memory_space<vmem>> -> memref<128x64xf32, #tpu.memory_space<vmem>>
    %dma_start3A_104 = arith.constant 0 : i32
    %dma_start3A_105 = tpu.memref_slice %arg5[%dma_start3A_98, %dma_start3A_104] : memref<200x128xi32, #tpu.memory_space<vmem>> -> memref<1x128xi32, #tpu.memory_space<vmem>>
    %dma_start3A_106 = tpu.memref_squeeze %dma_start3A_105 : memref<1x128xi32, #tpu.memory_space<vmem>> -> memref<128xi32, #tpu.memory_space<vmem>>
    %dma_start3A_107 = arith.constant 0 : i32
    %dma_start3A_108 = arith.constant 0 : i32
    %dma_start3A_109 = tpu.memref_slice %arg3[%dma_start3A_107, %dma_start3A_108] : memref<1000000x64xf32, #tpu.memory_space<hbm>> -> memref<1000000x64xf32, #tpu.memory_space<hbm>>
    tpu.enqueue_indirect_dma source(%dma_start3A_109 : memref<1000000x64xf32, #tpu.memory_space<hbm>>) target(%dma_start3A_103 : memref<128x64xf32, #tpu.memory_space<vmem>>) offsets(%dma_start3A_106 : memref<128xi32, #tpu.memory_space<vmem>>) semaphore(%arg16 : memref<!tpu.dma_semaphore, #tpu.memory_space<semaphore_mem>>)
    %dma_start3A_110 = arith.constant 9 : i32
    %dma_start3A_111 = arith.constant 9 : i32
    %dma_start3A_112 = arith.constant 0 : i32
    %dma_start3A_113 = arith.constant 0 : i32
    %dma_start3A_114 = tpu.memref_slice %arg6[%dma_start3A_111, %dma_start3A_112, %dma_start3A_113] : memref<10x128x64xf32, #tpu.memory_space<vmem>> -> memref<1x128x64xf32, #tpu.memory_space<vmem>>
    %dma_start3A_115 = tpu.memref_squeeze %dma_start3A_114 : memref<1x128x64xf32, #tpu.memory_space<vmem>> -> memref<128x64xf32, #tpu.memory_space<vmem>>
    %dma_start3A_116 = arith.constant 0 : i32
    %dma_start3A_117 = tpu.memref_slice %arg5[%dma_start3A_110, %dma_start3A_116] : memref<200x128xi32, #tpu.memory_space<vmem>> -> memref<1x128xi32, #tpu.memory_space<vmem>>
    %dma_start3A_118 = tpu.memref_squeeze %dma_start3A_117 : memref<1x128xi32, #tpu.memory_space<vmem>> -> memref<128xi32, #tpu.memory_space<vmem>>
    %dma_start3A_119 = arith.constant 0 : i32
    %dma_start3A_120 = arith.constant 0 : i32
    %dma_start3A_121 = tpu.memref_slice %arg3[%dma_start3A_119, %dma_start3A_120] : memref<1000000x64xf32, #tpu.memory_space<hbm>> -> memref<1000000x64xf32, #tpu.memory_space<hbm>>
    tpu.enqueue_indirect_dma source(%dma_start3A_121 : memref<1000000x64xf32, #tpu.memory_space<hbm>>) target(%dma_start3A_115 : memref<128x64xf32, #tpu.memory_space<vmem>>) offsets(%dma_start3A_118 : memref<128xi32, #tpu.memory_space<vmem>>) semaphore(%arg17 : memref<!tpu.dma_semaphore, #tpu.memory_space<semaphore_mem>>)
    %scan3A = arith.constant 0 : i32
    %scan3A_122 = arith.constant 1 : i32
    %scan3A_123 = arith.constant 19 : i32
    %scan3A_124 = arith.addi %scan3A_122, %scan3A_123 : i32
    %scan3A_125 = arith.constant 1 : i32
    scf.for %scan3A_252 = %scan3A_122 to %scan3A_124 step %scan3A_125  : i32 {
      %mul3A_253 = arith.constant 10 : i32
      %mul3A_254 = arith.muli %scan3A_252, %mul3A_253 : i32
      %add3A_255 = arith.constant 0 : i32
      %add3A_256 = arith.addi %mul3A_254, %add3A_255 : i32
      %dma_wait3A_257 = arith.constant 0 : i32
      %dma_wait3A_258 = arith.constant 0 : i32
      %dma_wait3A_259 = arith.constant 0 : i32
      %dma_wait3A_260 = tpu.memref_slice %arg6[%dma_wait3A_257, %dma_wait3A_258, %dma_wait3A_259] : memref<10x128x64xf32, #tpu.memory_space<vmem>> -> memref<1x128x64xf32, #tpu.memory_space<vmem>>
      %dma_wait3A_261 = tpu.memref_squeeze %dma_wait3A_260 : memref<1x128x64xf32, #tpu.memory_space<vmem>> -> memref<128x64xf32, #tpu.memory_space<vmem>>
      %dma_wait3A_262 = arith.constant 0 : i32
      %dma_wait3A_263 = tpu.memref_slice %arg5[%add3A_256, %dma_wait3A_262] : memref<200x128xi32, #tpu.memory_space<vmem>> -> memref<1x128xi32, #tpu.memory_space<vmem>>
      %dma_wait3A_264 = tpu.memref_squeeze %dma_wait3A_263 : memref<1x128xi32, #tpu.memory_space<vmem>> -> memref<128xi32, #tpu.memory_space<vmem>>
      %dma_wait3A_265 = arith.constant 0 : i32
      %dma_wait3A_266 = arith.constant 0 : i32
      %dma_wait3A_267 = tpu.memref_slice %arg3[%dma_wait3A_265, %dma_wait3A_266] : memref<1000000x64xf32, #tpu.memory_space<hbm>> -> memref<1000000x64xf32, #tpu.memory_space<hbm>>
      tpu.wait_indirect_dma semaphore(%arg8 : memref<!tpu.dma_semaphore, #tpu.memory_space<semaphore_mem>>) src(%dma_wait3A_267 : memref<1000000x64xf32, #tpu.memory_space<hbm>>) dst(%dma_wait3A_261 : memref<128x64xf32, #tpu.memory_space<vmem>>)
      %dma_start3A_268 = arith.constant 0 : i32
      %dma_start3A_269 = arith.constant 0 : i32
      %dma_start3A_270 = arith.constant 0 : i32
      %dma_start3A_271 = tpu.memref_slice %arg6[%dma_start3A_268, %dma_start3A_269, %dma_start3A_270] : memref<10x128x64xf32, #tpu.memory_space<vmem>> -> memref<1x128x64xf32, #tpu.memory_space<vmem>>
      %dma_start3A_272 = tpu.memref_squeeze %dma_start3A_271 : memref<1x128x64xf32, #tpu.memory_space<vmem>> -> memref<128x64xf32, #tpu.memory_space<vmem>>
      %dma_start3A_273 = arith.constant 0 : i32
      %dma_start3A_274 = tpu.memref_slice %arg5[%add3A_256, %dma_start3A_273] : memref<200x128xi32, #tpu.memory_space<vmem>> -> memref<1x128xi32, #tpu.memory_space<vmem>>
      %dma_start3A_275 = tpu.memref_squeeze %dma_start3A_274 : memref<1x128xi32, #tpu.memory_space<vmem>> -> memref<128xi32, #tpu.memory_space<vmem>>
      %dma_start3A_276 = arith.constant 0 : i32
      %dma_start3A_277 = arith.constant 0 : i32
      %dma_start3A_278 = tpu.memref_slice %arg3[%dma_start3A_276, %dma_start3A_277] : memref<1000000x64xf32, #tpu.memory_space<hbm>> -> memref<1000000x64xf32, #tpu.memory_space<hbm>>
      tpu.enqueue_indirect_dma source(%dma_start3A_278 : memref<1000000x64xf32, #tpu.memory_space<hbm>>) target(%dma_start3A_272 : memref<128x64xf32, #tpu.memory_space<vmem>>) offsets(%dma_start3A_275 : memref<128xi32, #tpu.memory_space<vmem>>) semaphore(%arg8 : memref<!tpu.dma_semaphore, #tpu.memory_space<semaphore_mem>>) {add = true}
      %mul3A_279 = arith.constant 10 : i32
      %mul3A_280 = arith.muli %scan3A_252, %mul3A_279 : i32
      %add3A_281 = arith.constant 1 : i32
      %add3A_282 = arith.addi %mul3A_280, %add3A_281 : i32
      %dma_wait3A_283 = arith.constant 1 : i32
      %dma_wait3A_284 = arith.constant 0 : i32
      %dma_wait3A_285 = arith.constant 0 : i32
      %dma_wait3A_286 = tpu.memref_slice %arg6[%dma_wait3A_283, %dma_wait3A_284, %dma_wait3A_285] : memref<10x128x64xf32, #tpu.memory_space<vmem>> -> memref<1x128x64xf32, #tpu.memory_space<vmem>>
      %dma_wait3A_287 = tpu.memref_squeeze %dma_wait3A_286 : memref<1x128x64xf32, #tpu.memory_space<vmem>> -> memref<128x64xf32, #tpu.memory_space<vmem>>
      %dma_wait3A_288 = arith.constant 0 : i32
      %dma_wait3A_289 = tpu.memref_slice %arg5[%add3A_282, %dma_wait3A_288] : memref<200x128xi32, #tpu.memory_space<vmem>> -> memref<1x128xi32, #tpu.memory_space<vmem>>
      %dma_wait3A_290 = tpu.memref_squeeze %dma_wait3A_289 : memref<1x128xi32, #tpu.memory_space<vmem>> -> memref<128xi32, #tpu.memory_space<vmem>>
      %dma_wait3A_291 = arith.constant 0 : i32
      %dma_wait3A_292 = arith.constant 0 : i32
      %dma_wait3A_293 = tpu.memref_slice %arg3[%dma_wait3A_291, %dma_wait3A_292] : memref<1000000x64xf32, #tpu.memory_space<hbm>> -> memref<1000000x64xf32, #tpu.memory_space<hbm>>
      tpu.wait_indirect_dma semaphore(%arg9 : memref<!tpu.dma_semaphore, #tpu.memory_space<semaphore_mem>>) src(%dma_wait3A_293 : memref<1000000x64xf32, #tpu.memory_space<hbm>>) dst(%dma_wait3A_287 : memref<128x64xf32, #tpu.memory_space<vmem>>)
      %dma_start3A_294 = arith.constant 1 : i32
      %dma_start3A_295 = arith.constant 0 : i32
      %dma_start3A_296 = arith.constant 0 : i32
      %dma_start3A_297 = tpu.memref_slice %arg6[%dma_start3A_294, %dma_start3A_295, %dma_start3A_296] : memref<10x128x64xf32, #tpu.memory_space<vmem>> -> memref<1x128x64xf32, #tpu.memory_space<vmem>>
      %dma_start3A_298 = tpu.memref_squeeze %dma_start3A_297 : memref<1x128x64xf32, #tpu.memory_space<vmem>> -> memref<128x64xf32, #tpu.memory_space<vmem>>
      %dma_start3A_299 = arith.constant 0 : i32
      %dma_start3A_300 = tpu.memref_slice %arg5[%add3A_282, %dma_start3A_299] : memref<200x128xi32, #tpu.memory_space<vmem>> -> memref<1x128xi32, #tpu.memory_space<vmem>>
      %dma_start3A_301 = tpu.memref_squeeze %dma_start3A_300 : memref<1x128xi32, #tpu.memory_space<vmem>> -> memref<128xi32, #tpu.memory_space<vmem>>
      %dma_start3A_302 = arith.constant 0 : i32
      %dma_start3A_303 = arith.constant 0 : i32
      %dma_start3A_304 = tpu.memref_slice %arg3[%dma_start3A_302, %dma_start3A_303] : memref<1000000x64xf32, #tpu.memory_space<hbm>> -> memref<1000000x64xf32, #tpu.memory_space<hbm>>
      tpu.enqueue_indirect_dma source(%dma_start3A_304 : memref<1000000x64xf32, #tpu.memory_space<hbm>>) target(%dma_start3A_298 : memref<128x64xf32, #tpu.memory_space<vmem>>) offsets(%dma_start3A_301 : memref<128xi32, #tpu.memory_space<vmem>>) semaphore(%arg9 : memref<!tpu.dma_semaphore, #tpu.memory_space<semaphore_mem>>) {add = true}
      %mul3A_305 = arith.constant 10 : i32
      %mul3A_306 = arith.muli %scan3A_252, %mul3A_305 : i32
      %add3A_307 = arith.constant 2 : i32
      %add3A_308 = arith.addi %mul3A_306, %add3A_307 : i32
      %dma_wait3A_309 = arith.constant 2 : i32
      %dma_wait3A_310 = arith.constant 0 : i32
      %dma_wait3A_311 = arith.constant 0 : i32
      %dma_wait3A_312 = tpu.memref_slice %arg6[%dma_wait3A_309, %dma_wait3A_310, %dma_wait3A_311] : memref<10x128x64xf32, #tpu.memory_space<vmem>> -> memref<1x128x64xf32, #tpu.memory_space<vmem>>
      %dma_wait3A_313 = tpu.memref_squeeze %dma_wait3A_312 : memref<1x128x64xf32, #tpu.memory_space<vmem>> -> memref<128x64xf32, #tpu.memory_space<vmem>>
      %dma_wait3A_314 = arith.constant 0 : i32
      %dma_wait3A_315 = tpu.memref_slice %arg5[%add3A_308, %dma_wait3A_314] : memref<200x128xi32, #tpu.memory_space<vmem>> -> memref<1x128xi32, #tpu.memory_space<vmem>>
      %dma_wait3A_316 = tpu.memref_squeeze %dma_wait3A_315 : memref<1x128xi32, #tpu.memory_space<vmem>> -> memref<128xi32, #tpu.memory_space<vmem>>
      %dma_wait3A_317 = arith.constant 0 : i32
      %dma_wait3A_318 = arith.constant 0 : i32
      %dma_wait3A_319 = tpu.memref_slice %arg3[%dma_wait3A_317, %dma_wait3A_318] : memref<1000000x64xf32, #tpu.memory_space<hbm>> -> memref<1000000x64xf32, #tpu.memory_space<hbm>>
      tpu.wait_indirect_dma semaphore(%arg10 : memref<!tpu.dma_semaphore, #tpu.memory_space<semaphore_mem>>) src(%dma_wait3A_319 : memref<1000000x64xf32, #tpu.memory_space<hbm>>) dst(%dma_wait3A_313 : memref<128x64xf32, #tpu.memory_space<vmem>>)
      %dma_start3A_320 = arith.constant 2 : i32
      %dma_start3A_321 = arith.constant 0 : i32
      %dma_start3A_322 = arith.constant 0 : i32
      %dma_start3A_323 = tpu.memref_slice %arg6[%dma_start3A_320, %dma_start3A_321, %dma_start3A_322] : memref<10x128x64xf32, #tpu.memory_space<vmem>> -> memref<1x128x64xf32, #tpu.memory_space<vmem>>
      %dma_start3A_324 = tpu.memref_squeeze %dma_start3A_323 : memref<1x128x64xf32, #tpu.memory_space<vmem>> -> memref<128x64xf32, #tpu.memory_space<vmem>>
      %dma_start3A_325 = arith.constant 0 : i32
      %dma_start3A_326 = tpu.memref_slice %arg5[%add3A_308, %dma_start3A_325] : memref<200x128xi32, #tpu.memory_space<vmem>> -> memref<1x128xi32, #tpu.memory_space<vmem>>
      %dma_start3A_327 = tpu.memref_squeeze %dma_start3A_326 : memref<1x128xi32, #tpu.memory_space<vmem>> -> memref<128xi32, #tpu.memory_space<vmem>>
      %dma_start3A_328 = arith.constant 0 : i32
      %dma_start3A_329 = arith.constant 0 : i32
      %dma_start3A_330 = tpu.memref_slice %arg3[%dma_start3A_328, %dma_start3A_329] : memref<1000000x64xf32, #tpu.memory_space<hbm>> -> memref<1000000x64xf32, #tpu.memory_space<hbm>>
      tpu.enqueue_indirect_dma source(%dma_start3A_330 : memref<1000000x64xf32, #tpu.memory_space<hbm>>) target(%dma_start3A_324 : memref<128x64xf32, #tpu.memory_space<vmem>>) offsets(%dma_start3A_327 : memref<128xi32, #tpu.memory_space<vmem>>) semaphore(%arg10 : memref<!tpu.dma_semaphore, #tpu.memory_space<semaphore_mem>>) {add = true}
      %mul3A_331 = arith.constant 10 : i32
      %mul3A_332 = arith.muli %scan3A_252, %mul3A_331 : i32
      %add3A_333 = arith.constant 3 : i32
      %add3A_334 = arith.addi %mul3A_332, %add3A_333 : i32
      %dma_wait3A_335 = arith.constant 3 : i32
      %dma_wait3A_336 = arith.constant 0 : i32
      %dma_wait3A_337 = arith.constant 0 : i32
      %dma_wait3A_338 = tpu.memref_slice %arg6[%dma_wait3A_335, %dma_wait3A_336, %dma_wait3A_337] : memref<10x128x64xf32, #tpu.memory_space<vmem>> -> memref<1x128x64xf32, #tpu.memory_space<vmem>>
      %dma_wait3A_339 = tpu.memref_squeeze %dma_wait3A_338 : memref<1x128x64xf32, #tpu.memory_space<vmem>> -> memref<128x64xf32, #tpu.memory_space<vmem>>
      %dma_wait3A_340 = arith.constant 0 : i32
      %dma_wait3A_341 = tpu.memref_slice %arg5[%add3A_334, %dma_wait3A_340] : memref<200x128xi32, #tpu.memory_space<vmem>> -> memref<1x128xi32, #tpu.memory_space<vmem>>
      %dma_wait3A_342 = tpu.memref_squeeze %dma_wait3A_341 : memref<1x128xi32, #tpu.memory_space<vmem>> -> memref<128xi32, #tpu.memory_space<vmem>>
      %dma_wait3A_343 = arith.constant 0 : i32
      %dma_wait3A_344 = arith.constant 0 : i32
      %dma_wait3A_345 = tpu.memref_slice %arg3[%dma_wait3A_343, %dma_wait3A_344] : memref<1000000x64xf32, #tpu.memory_space<hbm>> -> memref<1000000x64xf32, #tpu.memory_space<hbm>>
      tpu.wait_indirect_dma semaphore(%arg11 : memref<!tpu.dma_semaphore, #tpu.memory_space<semaphore_mem>>) src(%dma_wait3A_345 : memref<1000000x64xf32, #tpu.memory_space<hbm>>) dst(%dma_wait3A_339 : memref<128x64xf32, #tpu.memory_space<vmem>>)
      %dma_start3A_346 = arith.constant 3 : i32
      %dma_start3A_347 = arith.constant 0 : i32
      %dma_start3A_348 = arith.constant 0 : i32
      %dma_start3A_349 = tpu.memref_slice %arg6[%dma_start3A_346, %dma_start3A_347, %dma_start3A_348] : memref<10x128x64xf32, #tpu.memory_space<vmem>> -> memref<1x128x64xf32, #tpu.memory_space<vmem>>
      %dma_start3A_350 = tpu.memref_squeeze %dma_start3A_349 : memref<1x128x64xf32, #tpu.memory_space<vmem>> -> memref<128x64xf32, #tpu.memory_space<vmem>>
      %dma_start3A_351 = arith.constant 0 : i32
      %dma_start3A_352 = tpu.memref_slice %arg5[%add3A_334, %dma_start3A_351] : memref<200x128xi32, #tpu.memory_space<vmem>> -> memref<1x128xi32, #tpu.memory_space<vmem>>
      %dma_start3A_353 = tpu.memref_squeeze %dma_start3A_352 : memref<1x128xi32, #tpu.memory_space<vmem>> -> memref<128xi32, #tpu.memory_space<vmem>>
      %dma_start3A_354 = arith.constant 0 : i32
      %dma_start3A_355 = arith.constant 0 : i32
      %dma_start3A_356 = tpu.memref_slice %arg3[%dma_start3A_354, %dma_start3A_355] : memref<1000000x64xf32, #tpu.memory_space<hbm>> -> memref<1000000x64xf32, #tpu.memory_space<hbm>>
      tpu.enqueue_indirect_dma source(%dma_start3A_356 : memref<1000000x64xf32, #tpu.memory_space<hbm>>) target(%dma_start3A_350 : memref<128x64xf32, #tpu.memory_space<vmem>>) offsets(%dma_start3A_353 : memref<128xi32, #tpu.memory_space<vmem>>) semaphore(%arg11 : memref<!tpu.dma_semaphore, #tpu.memory_space<semaphore_mem>>) {add = true}
      %mul3A_357 = arith.constant 10 : i32
      %mul3A_358 = arith.muli %scan3A_252, %mul3A_357 : i32
      %add3A_359 = arith.constant 4 : i32
      %add3A_360 = arith.addi %mul3A_358, %add3A_359 : i32
      %dma_wait3A_361 = arith.constant 4 : i32
      %dma_wait3A_362 = arith.constant 0 : i32
      %dma_wait3A_363 = arith.constant 0 : i32
      %dma_wait3A_364 = tpu.memref_slice %arg6[%dma_wait3A_361, %dma_wait3A_362, %dma_wait3A_363] : memref<10x128x64xf32, #tpu.memory_space<vmem>> -> memref<1x128x64xf32, #tpu.memory_space<vmem>>
      %dma_wait3A_365 = tpu.memref_squeeze %dma_wait3A_364 : memref<1x128x64xf32, #tpu.memory_space<vmem>> -> memref<128x64xf32, #tpu.memory_space<vmem>>
      %dma_wait3A_366 = arith.constant 0 : i32
      %dma_wait3A_367 = tpu.memref_slice %arg5[%add3A_360, %dma_wait3A_366] : memref<200x128xi32, #tpu.memory_space<vmem>> -> memref<1x128xi32, #tpu.memory_space<vmem>>
      %dma_wait3A_368 = tpu.memref_squeeze %dma_wait3A_367 : memref<1x128xi32, #tpu.memory_space<vmem>> -> memref<128xi32, #tpu.memory_space<vmem>>
      %dma_wait3A_369 = arith.constant 0 : i32
      %dma_wait3A_370 = arith.constant 0 : i32
      %dma_wait3A_371 = tpu.memref_slice %arg3[%dma_wait3A_369, %dma_wait3A_370] : memref<1000000x64xf32, #tpu.memory_space<hbm>> -> memref<1000000x64xf32, #tpu.memory_space<hbm>>
      tpu.wait_indirect_dma semaphore(%arg12 : memref<!tpu.dma_semaphore, #tpu.memory_space<semaphore_mem>>) src(%dma_wait3A_371 : memref<1000000x64xf32, #tpu.memory_space<hbm>>) dst(%dma_wait3A_365 : memref<128x64xf32, #tpu.memory_space<vmem>>)
      %dma_start3A_372 = arith.constant 4 : i32
      %dma_start3A_373 = arith.constant 0 : i32
      %dma_start3A_374 = arith.constant 0 : i32
      %dma_start3A_375 = tpu.memref_slice %arg6[%dma_start3A_372, %dma_start3A_373, %dma_start3A_374] : memref<10x128x64xf32, #tpu.memory_space<vmem>> -> memref<1x128x64xf32, #tpu.memory_space<vmem>>
      %dma_start3A_376 = tpu.memref_squeeze %dma_start3A_375 : memref<1x128x64xf32, #tpu.memory_space<vmem>> -> memref<128x64xf32, #tpu.memory_space<vmem>>
      %dma_start3A_377 = arith.constant 0 : i32
      %dma_start3A_378 = tpu.memref_slice %arg5[%add3A_360, %dma_start3A_377] : memref<200x128xi32, #tpu.memory_space<vmem>> -> memref<1x128xi32, #tpu.memory_space<vmem>>
      %dma_start3A_379 = tpu.memref_squeeze %dma_start3A_378 : memref<1x128xi32, #tpu.memory_space<vmem>> -> memref<128xi32, #tpu.memory_space<vmem>>
      %dma_start3A_380 = arith.constant 0 : i32
      %dma_start3A_381 = arith.constant 0 : i32
      %dma_start3A_382 = tpu.memref_slice %arg3[%dma_start3A_380, %dma_start3A_381] : memref<1000000x64xf32, #tpu.memory_space<hbm>> -> memref<1000000x64xf32, #tpu.memory_space<hbm>>
      tpu.enqueue_indirect_dma source(%dma_start3A_382 : memref<1000000x64xf32, #tpu.memory_space<hbm>>) target(%dma_start3A_376 : memref<128x64xf32, #tpu.memory_space<vmem>>) offsets(%dma_start3A_379 : memref<128xi32, #tpu.memory_space<vmem>>) semaphore(%arg12 : memref<!tpu.dma_semaphore, #tpu.memory_space<semaphore_mem>>) {add = true}
      %mul3A_383 = arith.constant 10 : i32
      %mul3A_384 = arith.muli %scan3A_252, %mul3A_383 : i32
      %add3A_385 = arith.constant 5 : i32
      %add3A_386 = arith.addi %mul3A_384, %add3A_385 : i32
      %dma_wait3A_387 = arith.constant 5 : i32
      %dma_wait3A_388 = arith.constant 0 : i32
      %dma_wait3A_389 = arith.constant 0 : i32
      %dma_wait3A_390 = tpu.memref_slice %arg6[%dma_wait3A_387, %dma_wait3A_388, %dma_wait3A_389] : memref<10x128x64xf32, #tpu.memory_space<vmem>> -> memref<1x128x64xf32, #tpu.memory_space<vmem>>
      %dma_wait3A_391 = tpu.memref_squeeze %dma_wait3A_390 : memref<1x128x64xf32, #tpu.memory_space<vmem>> -> memref<128x64xf32, #tpu.memory_space<vmem>>
      %dma_wait3A_392 = arith.constant 0 : i32
      %dma_wait3A_393 = tpu.memref_slice %arg5[%add3A_386, %dma_wait3A_392] : memref<200x128xi32, #tpu.memory_space<vmem>> -> memref<1x128xi32, #tpu.memory_space<vmem>>
      %dma_wait3A_394 = tpu.memref_squeeze %dma_wait3A_393 : memref<1x128xi32, #tpu.memory_space<vmem>> -> memref<128xi32, #tpu.memory_space<vmem>>
      %dma_wait3A_395 = arith.constant 0 : i32
      %dma_wait3A_396 = arith.constant 0 : i32
      %dma_wait3A_397 = tpu.memref_slice %arg3[%dma_wait3A_395, %dma_wait3A_396] : memref<1000000x64xf32, #tpu.memory_space<hbm>> -> memref<1000000x64xf32, #tpu.memory_space<hbm>>
      tpu.wait_indirect_dma semaphore(%arg13 : memref<!tpu.dma_semaphore, #tpu.memory_space<semaphore_mem>>) src(%dma_wait3A_397 : memref<1000000x64xf32, #tpu.memory_space<hbm>>) dst(%dma_wait3A_391 : memref<128x64xf32, #tpu.memory_space<vmem>>)
      %dma_start3A_398 = arith.constant 5 : i32
      %dma_start3A_399 = arith.constant 0 : i32
      %dma_start3A_400 = arith.constant 0 : i32
      %dma_start3A_401 = tpu.memref_slice %arg6[%dma_start3A_398, %dma_start3A_399, %dma_start3A_400] : memref<10x128x64xf32, #tpu.memory_space<vmem>> -> memref<1x128x64xf32, #tpu.memory_space<vmem>>
      %dma_start3A_402 = tpu.memref_squeeze %dma_start3A_401 : memref<1x128x64xf32, #tpu.memory_space<vmem>> -> memref<128x64xf32, #tpu.memory_space<vmem>>
      %dma_start3A_403 = arith.constant 0 : i32
      %dma_start3A_404 = tpu.memref_slice %arg5[%add3A_386, %dma_start3A_403] : memref<200x128xi32, #tpu.memory_space<vmem>> -> memref<1x128xi32, #tpu.memory_space<vmem>>
      %dma_start3A_405 = tpu.memref_squeeze %dma_start3A_404 : memref<1x128xi32, #tpu.memory_space<vmem>> -> memref<128xi32, #tpu.memory_space<vmem>>
      %dma_start3A_406 = arith.constant 0 : i32
      %dma_start3A_407 = arith.constant 0 : i32
      %dma_start3A_408 = tpu.memref_slice %arg3[%dma_start3A_406, %dma_start3A_407] : memref<1000000x64xf32, #tpu.memory_space<hbm>> -> memref<1000000x64xf32, #tpu.memory_space<hbm>>
      tpu.enqueue_indirect_dma source(%dma_start3A_408 : memref<1000000x64xf32, #tpu.memory_space<hbm>>) target(%dma_start3A_402 : memref<128x64xf32, #tpu.memory_space<vmem>>) offsets(%dma_start3A_405 : memref<128xi32, #tpu.memory_space<vmem>>) semaphore(%arg13 : memref<!tpu.dma_semaphore, #tpu.memory_space<semaphore_mem>>) {add = true}
      %mul3A_409 = arith.constant 10 : i32
      %mul3A_410 = arith.muli %scan3A_252, %mul3A_409 : i32
      %add3A_411 = arith.constant 6 : i32
      %add3A_412 = arith.addi %mul3A_410, %add3A_411 : i32
      %dma_wait3A_413 = arith.constant 6 : i32
      %dma_wait3A_414 = arith.constant 0 : i32
      %dma_wait3A_415 = arith.constant 0 : i32
      %dma_wait3A_416 = tpu.memref_slice %arg6[%dma_wait3A_413, %dma_wait3A_414, %dma_wait3A_415] : memref<10x128x64xf32, #tpu.memory_space<vmem>> -> memref<1x128x64xf32, #tpu.memory_space<vmem>>
      %dma_wait3A_417 = tpu.memref_squeeze %dma_wait3A_416 : memref<1x128x64xf32, #tpu.memory_space<vmem>> -> memref<128x64xf32, #tpu.memory_space<vmem>>
      %dma_wait3A_418 = arith.constant 0 : i32
      %dma_wait3A_419 = tpu.memref_slice %arg5[%add3A_412, %dma_wait3A_418] : memref<200x128xi32, #tpu.memory_space<vmem>> -> memref<1x128xi32, #tpu.memory_space<vmem>>
      %dma_wait3A_420 = tpu.memref_squeeze %dma_wait3A_419 : memref<1x128xi32, #tpu.memory_space<vmem>> -> memref<128xi32, #tpu.memory_space<vmem>>
      %dma_wait3A_421 = arith.constant 0 : i32
      %dma_wait3A_422 = arith.constant 0 : i32
      %dma_wait3A_423 = tpu.memref_slice %arg3[%dma_wait3A_421, %dma_wait3A_422] : memref<1000000x64xf32, #tpu.memory_space<hbm>> -> memref<1000000x64xf32, #tpu.memory_space<hbm>>
      tpu.wait_indirect_dma semaphore(%arg14 : memref<!tpu.dma_semaphore, #tpu.memory_space<semaphore_mem>>) src(%dma_wait3A_423 : memref<1000000x64xf32, #tpu.memory_space<hbm>>) dst(%dma_wait3A_417 : memref<128x64xf32, #tpu.memory_space<vmem>>)
      %dma_start3A_424 = arith.constant 6 : i32
      %dma_start3A_425 = arith.constant 0 : i32
      %dma_start3A_426 = arith.constant 0 : i32
      %dma_start3A_427 = tpu.memref_slice %arg6[%dma_start3A_424, %dma_start3A_425, %dma_start3A_426] : memref<10x128x64xf32, #tpu.memory_space<vmem>> -> memref<1x128x64xf32, #tpu.memory_space<vmem>>
      %dma_start3A_428 = tpu.memref_squeeze %dma_start3A_427 : memref<1x128x64xf32, #tpu.memory_space<vmem>> -> memref<128x64xf32, #tpu.memory_space<vmem>>
      %dma_start3A_429 = arith.constant 0 : i32
      %dma_start3A_430 = tpu.memref_slice %arg5[%add3A_412, %dma_start3A_429] : memref<200x128xi32, #tpu.memory_space<vmem>> -> memref<1x128xi32, #tpu.memory_space<vmem>>
      %dma_start3A_431 = tpu.memref_squeeze %dma_start3A_430 : memref<1x128xi32, #tpu.memory_space<vmem>> -> memref<128xi32, #tpu.memory_space<vmem>>
      %dma_start3A_432 = arith.constant 0 : i32
      %dma_start3A_433 = arith.constant 0 : i32
      %dma_start3A_434 = tpu.memref_slice %arg3[%dma_start3A_432, %dma_start3A_433] : memref<1000000x64xf32, #tpu.memory_space<hbm>> -> memref<1000000x64xf32, #tpu.memory_space<hbm>>
      tpu.enqueue_indirect_dma source(%dma_start3A_434 : memref<1000000x64xf32, #tpu.memory_space<hbm>>) target(%dma_start3A_428 : memref<128x64xf32, #tpu.memory_space<vmem>>) offsets(%dma_start3A_431 : memref<128xi32, #tpu.memory_space<vmem>>) semaphore(%arg14 : memref<!tpu.dma_semaphore, #tpu.memory_space<semaphore_mem>>) {add = true}
      %mul3A_435 = arith.constant 10 : i32
      %mul3A_436 = arith.muli %scan3A_252, %mul3A_435 : i32
      %add3A_437 = arith.constant 7 : i32
      %add3A_438 = arith.addi %mul3A_436, %add3A_437 : i32
      %dma_wait3A_439 = arith.constant 7 : i32
      %dma_wait3A_440 = arith.constant 0 : i32
      %dma_wait3A_441 = arith.constant 0 : i32
      %dma_wait3A_442 = tpu.memref_slice %arg6[%dma_wait3A_439, %dma_wait3A_440, %dma_wait3A_441] : memref<10x128x64xf32, #tpu.memory_space<vmem>> -> memref<1x128x64xf32, #tpu.memory_space<vmem>>
      %dma_wait3A_443 = tpu.memref_squeeze %dma_wait3A_442 : memref<1x128x64xf32, #tpu.memory_space<vmem>> -> memref<128x64xf32, #tpu.memory_space<vmem>>
      %dma_wait3A_444 = arith.constant 0 : i32
      %dma_wait3A_445 = tpu.memref_slice %arg5[%add3A_438, %dma_wait3A_444] : memref<200x128xi32, #tpu.memory_space<vmem>> -> memref<1x128xi32, #tpu.memory_space<vmem>>
      %dma_wait3A_446 = tpu.memref_squeeze %dma_wait3A_445 : memref<1x128xi32, #tpu.memory_space<vmem>> -> memref<128xi32, #tpu.memory_space<vmem>>
      %dma_wait3A_447 = arith.constant 0 : i32
      %dma_wait3A_448 = arith.constant 0 : i32
      %dma_wait3A_449 = tpu.memref_slice %arg3[%dma_wait3A_447, %dma_wait3A_448] : memref<1000000x64xf32, #tpu.memory_space<hbm>> -> memref<1000000x64xf32, #tpu.memory_space<hbm>>
      tpu.wait_indirect_dma semaphore(%arg15 : memref<!tpu.dma_semaphore, #tpu.memory_space<semaphore_mem>>) src(%dma_wait3A_449 : memref<1000000x64xf32, #tpu.memory_space<hbm>>) dst(%dma_wait3A_443 : memref<128x64xf32, #tpu.memory_space<vmem>>)
      %dma_start3A_450 = arith.constant 7 : i32
      %dma_start3A_451 = arith.constant 0 : i32
      %dma_start3A_452 = arith.constant 0 : i32
      %dma_start3A_453 = tpu.memref_slice %arg6[%dma_start3A_450, %dma_start3A_451, %dma_start3A_452] : memref<10x128x64xf32, #tpu.memory_space<vmem>> -> memref<1x128x64xf32, #tpu.memory_space<vmem>>
      %dma_start3A_454 = tpu.memref_squeeze %dma_start3A_453 : memref<1x128x64xf32, #tpu.memory_space<vmem>> -> memref<128x64xf32, #tpu.memory_space<vmem>>
      %dma_start3A_455 = arith.constant 0 : i32
      %dma_start3A_456 = tpu.memref_slice %arg5[%add3A_438, %dma_start3A_455] : memref<200x128xi32, #tpu.memory_space<vmem>> -> memref<1x128xi32, #tpu.memory_space<vmem>>
      %dma_start3A_457 = tpu.memref_squeeze %dma_start3A_456 : memref<1x128xi32, #tpu.memory_space<vmem>> -> memref<128xi32, #tpu.memory_space<vmem>>
      %dma_start3A_458 = arith.constant 0 : i32
      %dma_start3A_459 = arith.constant 0 : i32
      %dma_start3A_460 = tpu.memref_slice %arg3[%dma_start3A_458, %dma_start3A_459] : memref<1000000x64xf32, #tpu.memory_space<hbm>> -> memref<1000000x64xf32, #tpu.memory_space<hbm>>
      tpu.enqueue_indirect_dma source(%dma_start3A_460 : memref<1000000x64xf32, #tpu.memory_space<hbm>>) target(%dma_start3A_454 : memref<128x64xf32, #tpu.memory_space<vmem>>) offsets(%dma_start3A_457 : memref<128xi32, #tpu.memory_space<vmem>>) semaphore(%arg15 : memref<!tpu.dma_semaphore, #tpu.memory_space<semaphore_mem>>) {add = true}
      %mul3A_461 = arith.constant 10 : i32
      %mul3A_462 = arith.muli %scan3A_252, %mul3A_461 : i32
      %add3A_463 = arith.constant 8 : i32
      %add3A_464 = arith.addi %mul3A_462, %add3A_463 : i32
      %dma_wait3A_465 = arith.constant 8 : i32
      %dma_wait3A_466 = arith.constant 0 : i32
      %dma_wait3A_467 = arith.constant 0 : i32
      %dma_wait3A_468 = tpu.memref_slice %arg6[%dma_wait3A_465, %dma_wait3A_466, %dma_wait3A_467] : memref<10x128x64xf32, #tpu.memory_space<vmem>> -> memref<1x128x64xf32, #tpu.memory_space<vmem>>
      %dma_wait3A_469 = tpu.memref_squeeze %dma_wait3A_468 : memref<1x128x64xf32, #tpu.memory_space<vmem>> -> memref<128x64xf32, #tpu.memory_space<vmem>>
      %dma_wait3A_470 = arith.constant 0 : i32
      %dma_wait3A_471 = tpu.memref_slice %arg5[%add3A_464, %dma_wait3A_470] : memref<200x128xi32, #tpu.memory_space<vmem>> -> memref<1x128xi32, #tpu.memory_space<vmem>>
      %dma_wait3A_472 = tpu.memref_squeeze %dma_wait3A_471 : memref<1x128xi32, #tpu.memory_space<vmem>> -> memref<128xi32, #tpu.memory_space<vmem>>
      %dma_wait3A_473 = arith.constant 0 : i32
      %dma_wait3A_474 = arith.constant 0 : i32
      %dma_wait3A_475 = tpu.memref_slice %arg3[%dma_wait3A_473, %dma_wait3A_474] : memref<1000000x64xf32, #tpu.memory_space<hbm>> -> memref<1000000x64xf32, #tpu.memory_space<hbm>>
      tpu.wait_indirect_dma semaphore(%arg16 : memref<!tpu.dma_semaphore, #tpu.memory_space<semaphore_mem>>) src(%dma_wait3A_475 : memref<1000000x64xf32, #tpu.memory_space<hbm>>) dst(%dma_wait3A_469 : memref<128x64xf32, #tpu.memory_space<vmem>>)
      %dma_start3A_476 = arith.constant 8 : i32
      %dma_start3A_477 = arith.constant 0 : i32
      %dma_start3A_478 = arith.constant 0 : i32
      %dma_start3A_479 = tpu.memref_slice %arg6[%dma_start3A_476, %dma_start3A_477, %dma_start3A_478] : memref<10x128x64xf32, #tpu.memory_space<vmem>> -> memref<1x128x64xf32, #tpu.memory_space<vmem>>
      %dma_start3A_480 = tpu.memref_squeeze %dma_start3A_479 : memref<1x128x64xf32, #tpu.memory_space<vmem>> -> memref<128x64xf32, #tpu.memory_space<vmem>>
      %dma_start3A_481 = arith.constant 0 : i32
      %dma_start3A_482 = tpu.memref_slice %arg5[%add3A_464, %dma_start3A_481] : memref<200x128xi32, #tpu.memory_space<vmem>> -> memref<1x128xi32, #tpu.memory_space<vmem>>
      %dma_start3A_483 = tpu.memref_squeeze %dma_start3A_482 : memref<1x128xi32, #tpu.memory_space<vmem>> -> memref<128xi32, #tpu.memory_space<vmem>>
      %dma_start3A_484 = arith.constant 0 : i32
      %dma_start3A_485 = arith.constant 0 : i32
      %dma_start3A_486 = tpu.memref_slice %arg3[%dma_start3A_484, %dma_start3A_485] : memref<1000000x64xf32, #tpu.memory_space<hbm>> -> memref<1000000x64xf32, #tpu.memory_space<hbm>>
      tpu.enqueue_indirect_dma source(%dma_start3A_486 : memref<1000000x64xf32, #tpu.memory_space<hbm>>) target(%dma_start3A_480 : memref<128x64xf32, #tpu.memory_space<vmem>>) offsets(%dma_start3A_483 : memref<128xi32, #tpu.memory_space<vmem>>) semaphore(%arg16 : memref<!tpu.dma_semaphore, #tpu.memory_space<semaphore_mem>>) {add = true}
      %mul3A_487 = arith.constant 10 : i32
      %mul3A_488 = arith.muli %scan3A_252, %mul3A_487 : i32
      %add3A_489 = arith.constant 9 : i32
      %add3A_490 = arith.addi %mul3A_488, %add3A_489 : i32
      %dma_wait3A_491 = arith.constant 9 : i32
      %dma_wait3A_492 = arith.constant 0 : i32
      %dma_wait3A_493 = arith.constant 0 : i32
      %dma_wait3A_494 = tpu.memref_slice %arg6[%dma_wait3A_491, %dma_wait3A_492, %dma_wait3A_493] : memref<10x128x64xf32, #tpu.memory_space<vmem>> -> memref<1x128x64xf32, #tpu.memory_space<vmem>>
      %dma_wait3A_495 = tpu.memref_squeeze %dma_wait3A_494 : memref<1x128x64xf32, #tpu.memory_space<vmem>> -> memref<128x64xf32, #tpu.memory_space<vmem>>
      %dma_wait3A_496 = arith.constant 0 : i32
      %dma_wait3A_497 = tpu.memref_slice %arg5[%add3A_490, %dma_wait3A_496] : memref<200x128xi32, #tpu.memory_space<vmem>> -> memref<1x128xi32, #tpu.memory_space<vmem>>
      %dma_wait3A_498 = tpu.memref_squeeze %dma_wait3A_497 : memref<1x128xi32, #tpu.memory_space<vmem>> -> memref<128xi32, #tpu.memory_space<vmem>>
      %dma_wait3A_499 = arith.constant 0 : i32
      %dma_wait3A_500 = arith.constant 0 : i32
      %dma_wait3A_501 = tpu.memref_slice %arg3[%dma_wait3A_499, %dma_wait3A_500] : memref<1000000x64xf32, #tpu.memory_space<hbm>> -> memref<1000000x64xf32, #tpu.memory_space<hbm>>
      tpu.wait_indirect_dma semaphore(%arg17 : memref<!tpu.dma_semaphore, #tpu.memory_space<semaphore_mem>>) src(%dma_wait3A_501 : memref<1000000x64xf32, #tpu.memory_space<hbm>>) dst(%dma_wait3A_495 : memref<128x64xf32, #tpu.memory_space<vmem>>)
      %dma_start3A_502 = arith.constant 9 : i32
      %dma_start3A_503 = arith.constant 0 : i32
      %dma_start3A_504 = arith.constant 0 : i32
      %dma_start3A_505 = tpu.memref_slice %arg6[%dma_start3A_502, %dma_start3A_503, %dma_start3A_504] : memref<10x128x64xf32, #tpu.memory_space<vmem>> -> memref<1x128x64xf32, #tpu.memory_space<vmem>>
      %dma_start3A_506 = tpu.memref_squeeze %dma_start3A_505 : memref<1x128x64xf32, #tpu.memory_space<vmem>> -> memref<128x64xf32, #tpu.memory_space<vmem>>
      %dma_start3A_507 = arith.constant 0 : i32
      %dma_start3A_508 = tpu.memref_slice %arg5[%add3A_490, %dma_start3A_507] : memref<200x128xi32, #tpu.memory_space<vmem>> -> memref<1x128xi32, #tpu.memory_space<vmem>>
      %dma_start3A_509 = tpu.memref_squeeze %dma_start3A_508 : memref<1x128xi32, #tpu.memory_space<vmem>> -> memref<128xi32, #tpu.memory_space<vmem>>
      %dma_start3A_510 = arith.constant 0 : i32
      %dma_start3A_511 = arith.constant 0 : i32
      %dma_start3A_512 = tpu.memref_slice %arg3[%dma_start3A_510, %dma_start3A_511] : memref<1000000x64xf32, #tpu.memory_space<hbm>> -> memref<1000000x64xf32, #tpu.memory_space<hbm>>
      tpu.enqueue_indirect_dma source(%dma_start3A_512 : memref<1000000x64xf32, #tpu.memory_space<hbm>>) target(%dma_start3A_506 : memref<128x64xf32, #tpu.memory_space<vmem>>) offsets(%dma_start3A_509 : memref<128xi32, #tpu.memory_space<vmem>>) semaphore(%arg17 : memref<!tpu.dma_semaphore, #tpu.memory_space<semaphore_mem>>) {add = true}
    }
    %scan3A_126 = arith.constant 19 : i32
    %dma_wait3A = arith.constant 0 : i32
    %dma_wait3A_127 = arith.constant 0 : i32
    %dma_wait3A_128 = arith.constant 0 : i32
    %dma_wait3A_129 = arith.constant 0 : i32
    %dma_wait3A_130 = tpu.memref_slice %arg6[%dma_wait3A_127, %dma_wait3A_128, %dma_wait3A_129] : memref<10x128x64xf32, #tpu.memory_space<vmem>> -> memref<1x128x64xf32, #tpu.memory_space<vmem>>
    %dma_wait3A_131 = tpu.memref_squeeze %dma_wait3A_130 : memref<1x128x64xf32, #tpu.memory_space<vmem>> -> memref<128x64xf32, #tpu.memory_space<vmem>>
    %dma_wait3A_132 = arith.constant 0 : i32
    %dma_wait3A_133 = tpu.memref_slice %arg5[%dma_wait3A, %dma_wait3A_132] : memref<200x128xi32, #tpu.memory_space<vmem>> -> memref<1x128xi32, #tpu.memory_space<vmem>>
    %dma_wait3A_134 = tpu.memref_squeeze %dma_wait3A_133 : memref<1x128xi32, #tpu.memory_space<vmem>> -> memref<128xi32, #tpu.memory_space<vmem>>
    %dma_wait3A_135 = arith.constant 0 : i32
    %dma_wait3A_136 = arith.constant 0 : i32
    %dma_wait3A_137 = tpu.memref_slice %arg3[%dma_wait3A_135, %dma_wait3A_136] : memref<1000000x64xf32, #tpu.memory_space<hbm>> -> memref<1000000x64xf32, #tpu.memory_space<hbm>>
    tpu.wait_indirect_dma semaphore(%arg8 : memref<!tpu.dma_semaphore, #tpu.memory_space<semaphore_mem>>) src(%dma_wait3A_137 : memref<1000000x64xf32, #tpu.memory_space<hbm>>) dst(%dma_wait3A_131 : memref<128x64xf32, #tpu.memory_space<vmem>>)
    %dma_wait3A_138 = arith.constant 1 : i32
    %dma_wait3A_139 = arith.constant 1 : i32
    %dma_wait3A_140 = arith.constant 0 : i32
    %dma_wait3A_141 = arith.constant 0 : i32
    %dma_wait3A_142 = tpu.memref_slice %arg6[%dma_wait3A_139, %dma_wait3A_140, %dma_wait3A_141] : memref<10x128x64xf32, #tpu.memory_space<vmem>> -> memref<1x128x64xf32, #tpu.memory_space<vmem>>
    %dma_wait3A_143 = tpu.memref_squeeze %dma_wait3A_142 : memref<1x128x64xf32, #tpu.memory_space<vmem>> -> memref<128x64xf32, #tpu.memory_space<vmem>>
    %dma_wait3A_144 = arith.constant 0 : i32
    %dma_wait3A_145 = tpu.memref_slice %arg5[%dma_wait3A_138, %dma_wait3A_144] : memref<200x128xi32, #tpu.memory_space<vmem>> -> memref<1x128xi32, #tpu.memory_space<vmem>>
    %dma_wait3A_146 = tpu.memref_squeeze %dma_wait3A_145 : memref<1x128xi32, #tpu.memory_space<vmem>> -> memref<128xi32, #tpu.memory_space<vmem>>
    %dma_wait3A_147 = arith.constant 0 : i32
    %dma_wait3A_148 = arith.constant 0 : i32
    %dma_wait3A_149 = tpu.memref_slice %arg3[%dma_wait3A_147, %dma_wait3A_148] : memref<1000000x64xf32, #tpu.memory_space<hbm>> -> memref<1000000x64xf32, #tpu.memory_space<hbm>>
    tpu.wait_indirect_dma semaphore(%arg9 : memref<!tpu.dma_semaphore, #tpu.memory_space<semaphore_mem>>) src(%dma_wait3A_149 : memref<1000000x64xf32, #tpu.memory_space<hbm>>) dst(%dma_wait3A_143 : memref<128x64xf32, #tpu.memory_space<vmem>>)
    %dma_wait3A_150 = arith.constant 2 : i32
    %dma_wait3A_151 = arith.constant 2 : i32
    %dma_wait3A_152 = arith.constant 0 : i32
    %dma_wait3A_153 = arith.constant 0 : i32
    %dma_wait3A_154 = tpu.memref_slice %arg6[%dma_wait3A_151, %dma_wait3A_152, %dma_wait3A_153] : memref<10x128x64xf32, #tpu.memory_space<vmem>> -> memref<1x128x64xf32, #tpu.memory_space<vmem>>
    %dma_wait3A_155 = tpu.memref_squeeze %dma_wait3A_154 : memref<1x128x64xf32, #tpu.memory_space<vmem>> -> memref<128x64xf32, #tpu.memory_space<vmem>>
    %dma_wait3A_156 = arith.constant 0 : i32
    %dma_wait3A_157 = tpu.memref_slice %arg5[%dma_wait3A_150, %dma_wait3A_156] : memref<200x128xi32, #tpu.memory_space<vmem>> -> memref<1x128xi32, #tpu.memory_space<vmem>>
    %dma_wait3A_158 = tpu.memref_squeeze %dma_wait3A_157 : memref<1x128xi32, #tpu.memory_space<vmem>> -> memref<128xi32, #tpu.memory_space<vmem>>
    %dma_wait3A_159 = arith.constant 0 : i32
    %dma_wait3A_160 = arith.constant 0 : i32
    %dma_wait3A_161 = tpu.memref_slice %arg3[%dma_wait3A_159, %dma_wait3A_160] : memref<1000000x64xf32, #tpu.memory_space<hbm>> -> memref<1000000x64xf32, #tpu.memory_space<hbm>>
    tpu.wait_indirect_dma semaphore(%arg10 : memref<!tpu.dma_semaphore, #tpu.memory_space<semaphore_mem>>) src(%dma_wait3A_161 : memref<1000000x64xf32, #tpu.memory_space<hbm>>) dst(%dma_wait3A_155 : memref<128x64xf32, #tpu.memory_space<vmem>>)
    %dma_wait3A_162 = arith.constant 3 : i32
    %dma_wait3A_163 = arith.constant 3 : i32
    %dma_wait3A_164 = arith.constant 0 : i32
    %dma_wait3A_165 = arith.constant 0 : i32
    %dma_wait3A_166 = tpu.memref_slice %arg6[%dma_wait3A_163, %dma_wait3A_164, %dma_wait3A_165] : memref<10x128x64xf32, #tpu.memory_space<vmem>> -> memref<1x128x64xf32, #tpu.memory_space<vmem>>
    %dma_wait3A_167 = tpu.memref_squeeze %dma_wait3A_166 : memref<1x128x64xf32, #tpu.memory_space<vmem>> -> memref<128x64xf32, #tpu.memory_space<vmem>>
    %dma_wait3A_168 = arith.constant 0 : i32
    %dma_wait3A_169 = tpu.memref_slice %arg5[%dma_wait3A_162, %dma_wait3A_168] : memref<200x128xi32, #tpu.memory_space<vmem>> -> memref<1x128xi32, #tpu.memory_space<vmem>>
    %dma_wait3A_170 = tpu.memref_squeeze %dma_wait3A_169 : memref<1x128xi32, #tpu.memory_space<vmem>> -> memref<128xi32, #tpu.memory_space<vmem>>
    %dma_wait3A_171 = arith.constant 0 : i32
    %dma_wait3A_172 = arith.constant 0 : i32
    %dma_wait3A_173 = tpu.memref_slice %arg3[%dma_wait3A_171, %dma_wait3A_172] : memref<1000000x64xf32, #tpu.memory_space<hbm>> -> memref<1000000x64xf32, #tpu.memory_space<hbm>>
    tpu.wait_indirect_dma semaphore(%arg11 : memref<!tpu.dma_semaphore, #tpu.memory_space<semaphore_mem>>) src(%dma_wait3A_173 : memref<1000000x64xf32, #tpu.memory_space<hbm>>) dst(%dma_wait3A_167 : memref<128x64xf32, #tpu.memory_space<vmem>>)
    %dma_wait3A_174 = arith.constant 4 : i32
    %dma_wait3A_175 = arith.constant 4 : i32
    %dma_wait3A_176 = arith.constant 0 : i32
    %dma_wait3A_177 = arith.constant 0 : i32
    %dma_wait3A_178 = tpu.memref_slice %arg6[%dma_wait3A_175, %dma_wait3A_176, %dma_wait3A_177] : memref<10x128x64xf32, #tpu.memory_space<vmem>> -> memref<1x128x64xf32, #tpu.memory_space<vmem>>
    %dma_wait3A_179 = tpu.memref_squeeze %dma_wait3A_178 : memref<1x128x64xf32, #tpu.memory_space<vmem>> -> memref<128x64xf32, #tpu.memory_space<vmem>>
    %dma_wait3A_180 = arith.constant 0 : i32
    %dma_wait3A_181 = tpu.memref_slice %arg5[%dma_wait3A_174, %dma_wait3A_180] : memref<200x128xi32, #tpu.memory_space<vmem>> -> memref<1x128xi32, #tpu.memory_space<vmem>>
    %dma_wait3A_182 = tpu.memref_squeeze %dma_wait3A_181 : memref<1x128xi32, #tpu.memory_space<vmem>> -> memref<128xi32, #tpu.memory_space<vmem>>
    %dma_wait3A_183 = arith.constant 0 : i32
    %dma_wait3A_184 = arith.constant 0 : i32
    %dma_wait3A_185 = tpu.memref_slice %arg3[%dma_wait3A_183, %dma_wait3A_184] : memref<1000000x64xf32, #tpu.memory_space<hbm>> -> memref<1000000x64xf32, #tpu.memory_space<hbm>>
    tpu.wait_indirect_dma semaphore(%arg12 : memref<!tpu.dma_semaphore, #tpu.memory_space<semaphore_mem>>) src(%dma_wait3A_185 : memref<1000000x64xf32, #tpu.memory_space<hbm>>) dst(%dma_wait3A_179 : memref<128x64xf32, #tpu.memory_space<vmem>>)
    %dma_wait3A_186 = arith.constant 5 : i32
    %dma_wait3A_187 = arith.constant 5 : i32
    %dma_wait3A_188 = arith.constant 0 : i32
    %dma_wait3A_189 = arith.constant 0 : i32
    %dma_wait3A_190 = tpu.memref_slice %arg6[%dma_wait3A_187, %dma_wait3A_188, %dma_wait3A_189] : memref<10x128x64xf32, #tpu.memory_space<vmem>> -> memref<1x128x64xf32, #tpu.memory_space<vmem>>
    %dma_wait3A_191 = tpu.memref_squeeze %dma_wait3A_190 : memref<1x128x64xf32, #tpu.memory_space<vmem>> -> memref<128x64xf32, #tpu.memory_space<vmem>>
    %dma_wait3A_192 = arith.constant 0 : i32
    %dma_wait3A_193 = tpu.memref_slice %arg5[%dma_wait3A_186, %dma_wait3A_192] : memref<200x128xi32, #tpu.memory_space<vmem>> -> memref<1x128xi32, #tpu.memory_space<vmem>>
    %dma_wait3A_194 = tpu.memref_squeeze %dma_wait3A_193 : memref<1x128xi32, #tpu.memory_space<vmem>> -> memref<128xi32, #tpu.memory_space<vmem>>
    %dma_wait3A_195 = arith.constant 0 : i32
    %dma_wait3A_196 = arith.constant 0 : i32
    %dma_wait3A_197 = tpu.memref_slice %arg3[%dma_wait3A_195, %dma_wait3A_196] : memref<1000000x64xf32, #tpu.memory_space<hbm>> -> memref<1000000x64xf32, #tpu.memory_space<hbm>>
    tpu.wait_indirect_dma semaphore(%arg13 : memref<!tpu.dma_semaphore, #tpu.memory_space<semaphore_mem>>) src(%dma_wait3A_197 : memref<1000000x64xf32, #tpu.memory_space<hbm>>) dst(%dma_wait3A_191 : memref<128x64xf32, #tpu.memory_space<vmem>>)
    %dma_wait3A_198 = arith.constant 6 : i32
    %dma_wait3A_199 = arith.constant 6 : i32
    %dma_wait3A_200 = arith.constant 0 : i32
    %dma_wait3A_201 = arith.constant 0 : i32
    %dma_wait3A_202 = tpu.memref_slice %arg6[%dma_wait3A_199, %dma_wait3A_200, %dma_wait3A_201] : memref<10x128x64xf32, #tpu.memory_space<vmem>> -> memref<1x128x64xf32, #tpu.memory_space<vmem>>
    %dma_wait3A_203 = tpu.memref_squeeze %dma_wait3A_202 : memref<1x128x64xf32, #tpu.memory_space<vmem>> -> memref<128x64xf32, #tpu.memory_space<vmem>>
    %dma_wait3A_204 = arith.constant 0 : i32
    %dma_wait3A_205 = tpu.memref_slice %arg5[%dma_wait3A_198, %dma_wait3A_204] : memref<200x128xi32, #tpu.memory_space<vmem>> -> memref<1x128xi32, #tpu.memory_space<vmem>>
    %dma_wait3A_206 = tpu.memref_squeeze %dma_wait3A_205 : memref<1x128xi32, #tpu.memory_space<vmem>> -> memref<128xi32, #tpu.memory_space<vmem>>
    %dma_wait3A_207 = arith.constant 0 : i32
    %dma_wait3A_208 = arith.constant 0 : i32
    %dma_wait3A_209 = tpu.memref_slice %arg3[%dma_wait3A_207, %dma_wait3A_208] : memref<1000000x64xf32, #tpu.memory_space<hbm>> -> memref<1000000x64xf32, #tpu.memory_space<hbm>>
    tpu.wait_indirect_dma semaphore(%arg14 : memref<!tpu.dma_semaphore, #tpu.memory_space<semaphore_mem>>) src(%dma_wait3A_209 : memref<1000000x64xf32, #tpu.memory_space<hbm>>) dst(%dma_wait3A_203 : memref<128x64xf32, #tpu.memory_space<vmem>>)
    %dma_wait3A_210 = arith.constant 7 : i32
    %dma_wait3A_211 = arith.constant 7 : i32
    %dma_wait3A_212 = arith.constant 0 : i32
    %dma_wait3A_213 = arith.constant 0 : i32
    %dma_wait3A_214 = tpu.memref_slice %arg6[%dma_wait3A_211, %dma_wait3A_212, %dma_wait3A_213] : memref<10x128x64xf32, #tpu.memory_space<vmem>> -> memref<1x128x64xf32, #tpu.memory_space<vmem>>
    %dma_wait3A_215 = tpu.memref_squeeze %dma_wait3A_214 : memref<1x128x64xf32, #tpu.memory_space<vmem>> -> memref<128x64xf32, #tpu.memory_space<vmem>>
    %dma_wait3A_216 = arith.constant 0 : i32
    %dma_wait3A_217 = tpu.memref_slice %arg5[%dma_wait3A_210, %dma_wait3A_216] : memref<200x128xi32, #tpu.memory_space<vmem>> -> memref<1x128xi32, #tpu.memory_space<vmem>>
    %dma_wait3A_218 = tpu.memref_squeeze %dma_wait3A_217 : memref<1x128xi32, #tpu.memory_space<vmem>> -> memref<128xi32, #tpu.memory_space<vmem>>
    %dma_wait3A_219 = arith.constant 0 : i32
    %dma_wait3A_220 = arith.constant 0 : i32
    %dma_wait3A_221 = tpu.memref_slice %arg3[%dma_wait3A_219, %dma_wait3A_220] : memref<1000000x64xf32, #tpu.memory_space<hbm>> -> memref<1000000x64xf32, #tpu.memory_space<hbm>>
    tpu.wait_indirect_dma semaphore(%arg15 : memref<!tpu.dma_semaphore, #tpu.memory_space<semaphore_mem>>) src(%dma_wait3A_221 : memref<1000000x64xf32, #tpu.memory_space<hbm>>) dst(%dma_wait3A_215 : memref<128x64xf32, #tpu.memory_space<vmem>>)
    %dma_wait3A_222 = arith.constant 8 : i32
    %dma_wait3A_223 = arith.constant 8 : i32
    %dma_wait3A_224 = arith.constant 0 : i32
    %dma_wait3A_225 = arith.constant 0 : i32
    %dma_wait3A_226 = tpu.memref_slice %arg6[%dma_wait3A_223, %dma_wait3A_224, %dma_wait3A_225] : memref<10x128x64xf32, #tpu.memory_space<vmem>> -> memref<1x128x64xf32, #tpu.memory_space<vmem>>
    %dma_wait3A_227 = tpu.memref_squeeze %dma_wait3A_226 : memref<1x128x64xf32, #tpu.memory_space<vmem>> -> memref<128x64xf32, #tpu.memory_space<vmem>>
    %dma_wait3A_228 = arith.constant 0 : i32
    %dma_wait3A_229 = tpu.memref_slice %arg5[%dma_wait3A_222, %dma_wait3A_228] : memref<200x128xi32, #tpu.memory_space<vmem>> -> memref<1x128xi32, #tpu.memory_space<vmem>>
    %dma_wait3A_230 = tpu.memref_squeeze %dma_wait3A_229 : memref<1x128xi32, #tpu.memory_space<vmem>> -> memref<128xi32, #tpu.memory_space<vmem>>
    %dma_wait3A_231 = arith.constant 0 : i32
    %dma_wait3A_232 = arith.constant 0 : i32
    %dma_wait3A_233 = tpu.memref_slice %arg3[%dma_wait3A_231, %dma_wait3A_232] : memref<1000000x64xf32, #tpu.memory_space<hbm>> -> memref<1000000x64xf32, #tpu.memory_space<hbm>>
    tpu.wait_indirect_dma semaphore(%arg16 : memref<!tpu.dma_semaphore, #tpu.memory_space<semaphore_mem>>) src(%dma_wait3A_233 : memref<1000000x64xf32, #tpu.memory_space<hbm>>) dst(%dma_wait3A_227 : memref<128x64xf32, #tpu.memory_space<vmem>>)
    %dma_wait3A_234 = arith.constant 9 : i32
    %dma_wait3A_235 = arith.constant 9 : i32
    %dma_wait3A_236 = arith.constant 0 : i32
    %dma_wait3A_237 = arith.constant 0 : i32
    %dma_wait3A_238 = tpu.memref_slice %arg6[%dma_wait3A_235, %dma_wait3A_236, %dma_wait3A_237] : memref<10x128x64xf32, #tpu.memory_space<vmem>> -> memref<1x128x64xf32, #tpu.memory_space<vmem>>
    %dma_wait3A_239 = tpu.memref_squeeze %dma_wait3A_238 : memref<1x128x64xf32, #tpu.memory_space<vmem>> -> memref<128x64xf32, #tpu.memory_space<vmem>>
    %dma_wait3A_240 = arith.constant 0 : i32
    %dma_wait3A_241 = tpu.memref_slice %arg5[%dma_wait3A_234, %dma_wait3A_240] : memref<200x128xi32, #tpu.memory_space<vmem>> -> memref<1x128xi32, #tpu.memory_space<vmem>>
    %dma_wait3A_242 = tpu.memref_squeeze %dma_wait3A_241 : memref<1x128xi32, #tpu.memory_space<vmem>> -> memref<128xi32, #tpu.memory_space<vmem>>
    %dma_wait3A_243 = arith.constant 0 : i32
    %dma_wait3A_244 = arith.constant 0 : i32
    %dma_wait3A_245 = tpu.memref_slice %arg3[%dma_wait3A_243, %dma_wait3A_244] : memref<1000000x64xf32, #tpu.memory_space<hbm>> -> memref<1000000x64xf32, #tpu.memory_space<hbm>>
    tpu.wait_indirect_dma semaphore(%arg17 : memref<!tpu.dma_semaphore, #tpu.memory_space<semaphore_mem>>) src(%dma_wait3A_245 : memref<1000000x64xf32, #tpu.memory_space<hbm>>) dst(%dma_wait3A_239 : memref<128x64xf32, #tpu.memory_space<vmem>>)
    %scan3A_246 = arith.constant 0 : i32
    %scan3A_247 = arith.constant 0 : i32
    %scan3A_248 = arith.constant 128 : i32
    %scan3A_249 = arith.addi %scan3A_247, %scan3A_248 : i32
    %scan3A_250 = arith.constant 1 : i32
    scf.for %scan3A_252 = %scan3A_247 to %scan3A_249 step %scan3A_250  : i32 {
      %get3A = arith.constant 0 : i32
      %get3A_253 = arith.index_cast %get3A : i32 to index
      %get3A_254 = arith.index_cast %scan3A_252 : i32 to index
      %get3A_255 = arith.constant 0 : index
      %get3A_256 = tpu.vector_load %arg6[%get3A_253, %get3A_254, %get3A_255] {strides = array<i32>} : memref<10x128x64xf32, #tpu.memory_space<vmem>>, vector<1x1x16xf32>,
      %get3A_257 = vector.shape_cast %get3A_256 : vector<1x1x16xf32> to vector<16xf32>
      %get3A_258 = arith.constant 1 : i32
      %get3A_259 = arith.index_cast %get3A_258 : i32 to index
      %get3A_260 = arith.index_cast %scan3A_252 : i32 to index
      %get3A_261 = arith.constant 0 : index
      %get3A_262 = tpu.vector_load %arg6[%get3A_259, %get3A_260, %get3A_261] {strides = array<i32>} : memref<10x128x64xf32, #tpu.memory_space<vmem>>, vector<1x1x16xf32>,
      %get3A_263 = vector.shape_cast %get3A_262 : vector<1x1x16xf32> to vector<16xf32>
      %add3A_264 = arith.addf %get3A_257, %get3A_263 : vector<16xf32>
      %get3A_265 = arith.constant 2 : i32
      %get3A_266 = arith.index_cast %get3A_265 : i32 to index
      %get3A_267 = arith.index_cast %scan3A_252 : i32 to index
      %get3A_268 = arith.constant 0 : index
      %get3A_269 = tpu.vector_load %arg6[%get3A_266, %get3A_267, %get3A_268] {strides = array<i32>} : memref<10x128x64xf32, #tpu.memory_space<vmem>>, vector<1x1x16xf32>,
      %get3A_270 = vector.shape_cast %get3A_269 : vector<1x1x16xf32> to vector<16xf32>
      %add3A_271 = arith.addf %add3A_264, %get3A_270 : vector<16xf32>
      %get3A_272 = arith.constant 3 : i32
      %get3A_273 = arith.index_cast %get3A_272 : i32 to index
      %get3A_274 = arith.index_cast %scan3A_252 : i32 to index
      %get3A_275 = arith.constant 0 : index
      %get3A_276 = tpu.vector_load %arg6[%get3A_273, %get3A_274, %get3A_275] {strides = array<i32>} : memref<10x128x64xf32, #tpu.memory_space<vmem>>, vector<1x1x16xf32>,
      %get3A_277 = vector.shape_cast %get3A_276 : vector<1x1x16xf32> to vector<16xf32>
      %add3A_278 = arith.addf %add3A_271, %get3A_277 : vector<16xf32>
      %get3A_279 = arith.constant 4 : i32
      %get3A_280 = arith.index_cast %get3A_279 : i32 to index
      %get3A_281 = arith.index_cast %scan3A_252 : i32 to index
      %get3A_282 = arith.constant 0 : index
      %get3A_283 = tpu.vector_load %arg6[%get3A_280, %get3A_281, %get3A_282] {strides = array<i32>} : memref<10x128x64xf32, #tpu.memory_space<vmem>>, vector<1x1x16xf32>,
      %get3A_284 = vector.shape_cast %get3A_283 : vector<1x1x16xf32> to vector<16xf32>
      %add3A_285 = arith.addf %add3A_278, %get3A_284 : vector<16xf32>
      %get3A_286 = arith.constant 5 : i32
      %get3A_287 = arith.index_cast %get3A_286 : i32 to index
      %get3A_288 = arith.index_cast %scan3A_252 : i32 to index
      %get3A_289 = arith.constant 0 : index
      %get3A_290 = tpu.vector_load %arg6[%get3A_287, %get3A_288, %get3A_289] {strides = array<i32>} : memref<10x128x64xf32, #tpu.memory_space<vmem>>, vector<1x1x16xf32>,
      %get3A_291 = vector.shape_cast %get3A_290 : vector<1x1x16xf32> to vector<16xf32>
      %add3A_292 = arith.addf %add3A_285, %get3A_291 : vector<16xf32>
      %get3A_293 = arith.constant 6 : i32
      %get3A_294 = arith.index_cast %get3A_293 : i32 to index
      %get3A_295 = arith.index_cast %scan3A_252 : i32 to index
      %get3A_296 = arith.constant 0 : index
      %get3A_297 = tpu.vector_load %arg6[%get3A_294, %get3A_295, %get3A_296] {strides = array<i32>} : memref<10x128x64xf32, #tpu.memory_space<vmem>>, vector<1x1x16xf32>,
      %get3A_298 = vector.shape_cast %get3A_297 : vector<1x1x16xf32> to vector<16xf32>
      %add3A_299 = arith.addf %add3A_292, %get3A_298 : vector<16xf32>
      %get3A_300 = arith.constant 7 : i32
      %get3A_301 = arith.index_cast %get3A_300 : i32 to index
      %get3A_302 = arith.index_cast %scan3A_252 : i32 to index
      %get3A_303 = arith.constant 0 : index
      %get3A_304 = tpu.vector_load %arg6[%get3A_301, %get3A_302, %get3A_303] {strides = array<i32>} : memref<10x128x64xf32, #tpu.memory_space<vmem>>, vector<1x1x16xf32>,
      %get3A_305 = vector.shape_cast %get3A_304 : vector<1x1x16xf32> to vector<16xf32>
      %add3A_306 = arith.addf %add3A_299, %get3A_305 : vector<16xf32>
      %get3A_307 = arith.constant 8 : i32
      %get3A_308 = arith.index_cast %get3A_307 : i32 to index
      %get3A_309 = arith.index_cast %scan3A_252 : i32 to index
      %get3A_310 = arith.constant 0 : index
      %get3A_311 = tpu.vector_load %arg6[%get3A_308, %get3A_309, %get3A_310] {strides = array<i32>} : memref<10x128x64xf32, #tpu.memory_space<vmem>>, vector<1x1x16xf32>,
      %get3A_312 = vector.shape_cast %get3A_311 : vector<1x1x16xf32> to vector<16xf32>
      %add3A_313 = arith.addf %add3A_306, %get3A_312 : vector<16xf32>
      %get3A_314 = arith.constant 9 : i32
      %get3A_315 = arith.index_cast %get3A_314 : i32 to index
      %get3A_316 = arith.index_cast %scan3A_252 : i32 to index
      %get3A_317 = arith.constant 0 : index
      %get3A_318 = tpu.vector_load %arg6[%get3A_315, %get3A_316, %get3A_317] {strides = array<i32>} : memref<10x128x64xf32, #tpu.memory_space<vmem>>, vector<1x1x16xf32>,
      %get3A_319 = vector.shape_cast %get3A_318 : vector<1x1x16xf32> to vector<16xf32>
      %add3A_320 = arith.addf %add3A_313, %get3A_319 : vector<16xf32>
      %swap3A = arith.index_cast %scan3A_252 : i32 to index
      %swap3A_321 = arith.constant 0 : index
      %swap3A_322 = tpu.vector_load %arg7[%swap3A, %swap3A_321] {strides = array<i32>} : memref<128x64xf32, #tpu.memory_space<vmem>>, vector<1x16xf32>,
      %swap3A_323 = vector.shape_cast %swap3A_322 : vector<1x16xf32> to vector<16xf32>
      %swap3A_324 = vector.shape_cast %add3A_320 : vector<16xf32> to vector<1x16xf32>
      tpu.vector_store %arg7[%swap3A, %swap3A_321], %swap3A_324 {strides = array<i32>} : memref<128x64xf32, #tpu.memory_space<vmem>>, vector<1x16xf32>,
      %get3A_325 = arith.constant 0 : i32
      %get3A_326 = arith.index_cast %get3A_325 : i32 to index
      %get3A_327 = arith.index_cast %scan3A_252 : i32 to index
      %get3A_328 = arith.constant 16 : index
      %get3A_329 = tpu.vector_load %arg6[%get3A_326, %get3A_327, %get3A_328] {strides = array<i32>} : memref<10x128x64xf32, #tpu.memory_space<vmem>>, vector<1x1x16xf32>,
      %get3A_330 = vector.shape_cast %get3A_329 : vector<1x1x16xf32> to vector<16xf32>
      %get3A_331 = arith.constant 1 : i32
      %get3A_332 = arith.index_cast %get3A_331 : i32 to index
      %get3A_333 = arith.index_cast %scan3A_252 : i32 to index
      %get3A_334 = arith.constant 16 : index
      %get3A_335 = tpu.vector_load %arg6[%get3A_332, %get3A_333, %get3A_334] {strides = array<i32>} : memref<10x128x64xf32, #tpu.memory_space<vmem>>, vector<1x1x16xf32>,
      %get3A_336 = vector.shape_cast %get3A_335 : vector<1x1x16xf32> to vector<16xf32>
      %add3A_337 = arith.addf %get3A_330, %get3A_336 : vector<16xf32>
      %get3A_338 = arith.constant 2 : i32
      %get3A_339 = arith.index_cast %get3A_338 : i32 to index
      %get3A_340 = arith.index_cast %scan3A_252 : i32 to index
      %get3A_341 = arith.constant 16 : index
      %get3A_342 = tpu.vector_load %arg6[%get3A_339, %get3A_340, %get3A_341] {strides = array<i32>} : memref<10x128x64xf32, #tpu.memory_space<vmem>>, vector<1x1x16xf32>,
      %get3A_343 = vector.shape_cast %get3A_342 : vector<1x1x16xf32> to vector<16xf32>
      %add3A_344 = arith.addf %add3A_337, %get3A_343 : vector<16xf32>
      %get3A_345 = arith.constant 3 : i32
      %get3A_346 = arith.index_cast %get3A_345 : i32 to index
      %get3A_347 = arith.index_cast %scan3A_252 : i32 to index
      %get3A_348 = arith.constant 16 : index
      %get3A_349 = tpu.vector_load %arg6[%get3A_346, %get3A_347, %get3A_348] {strides = array<i32>} : memref<10x128x64xf32, #tpu.memory_space<vmem>>, vector<1x1x16xf32>,
      %get3A_350 = vector.shape_cast %get3A_349 : vector<1x1x16xf32> to vector<16xf32>
      %add3A_351 = arith.addf %add3A_344, %get3A_350 : vector<16xf32>
      %get3A_352 = arith.constant 4 : i32
      %get3A_353 = arith.index_cast %get3A_352 : i32 to index
      %get3A_354 = arith.index_cast %scan3A_252 : i32 to index
      %get3A_355 = arith.constant 16 : index
      %get3A_356 = tpu.vector_load %arg6[%get3A_353, %get3A_354, %get3A_355] {strides = array<i32>} : memref<10x128x64xf32, #tpu.memory_space<vmem>>, vector<1x1x16xf32>,
      %get3A_357 = vector.shape_cast %get3A_356 : vector<1x1x16xf32> to vector<16xf32>
      %add3A_358 = arith.addf %add3A_351, %get3A_357 : vector<16xf32>
      %get3A_359 = arith.constant 5 : i32
      %get3A_360 = arith.index_cast %get3A_359 : i32 to index
      %get3A_361 = arith.index_cast %scan3A_252 : i32 to index
      %get3A_362 = arith.constant 16 : index
      %get3A_363 = tpu.vector_load %arg6[%get3A_360, %get3A_361, %get3A_362] {strides = array<i32>} : memref<10x128x64xf32, #tpu.memory_space<vmem>>, vector<1x1x16xf32>,
      %get3A_364 = vector.shape_cast %get3A_363 : vector<1x1x16xf32> to vector<16xf32>
      %add3A_365 = arith.addf %add3A_358, %get3A_364 : vector<16xf32>
      %get3A_366 = arith.constant 6 : i32
      %get3A_367 = arith.index_cast %get3A_366 : i32 to index
      %get3A_368 = arith.index_cast %scan3A_252 : i32 to index
      %get3A_369 = arith.constant 16 : index
      %get3A_370 = tpu.vector_load %arg6[%get3A_367, %get3A_368, %get3A_369] {strides = array<i32>} : memref<10x128x64xf32, #tpu.memory_space<vmem>>, vector<1x1x16xf32>,
      %get3A_371 = vector.shape_cast %get3A_370 : vector<1x1x16xf32> to vector<16xf32>
      %add3A_372 = arith.addf %add3A_365, %get3A_371 : vector<16xf32>
      %get3A_373 = arith.constant 7 : i32
      %get3A_374 = arith.index_cast %get3A_373 : i32 to index
      %get3A_375 = arith.index_cast %scan3A_252 : i32 to index
      %get3A_376 = arith.constant 16 : index
      %get3A_377 = tpu.vector_load %arg6[%get3A_374, %get3A_375, %get3A_376] {strides = array<i32>} : memref<10x128x64xf32, #tpu.memory_space<vmem>>, vector<1x1x16xf32>,
      %get3A_378 = vector.shape_cast %get3A_377 : vector<1x1x16xf32> to vector<16xf32>
      %add3A_379 = arith.addf %add3A_372, %get3A_378 : vector<16xf32>
      %get3A_380 = arith.constant 8 : i32
      %get3A_381 = arith.index_cast %get3A_380 : i32 to index
      %get3A_382 = arith.index_cast %scan3A_252 : i32 to index
      %get3A_383 = arith.constant 16 : index
      %get3A_384 = tpu.vector_load %arg6[%get3A_381, %get3A_382, %get3A_383] {strides = array<i32>} : memref<10x128x64xf32, #tpu.memory_space<vmem>>, vector<1x1x16xf32>,
      %get3A_385 = vector.shape_cast %get3A_384 : vector<1x1x16xf32> to vector<16xf32>
      %add3A_386 = arith.addf %add3A_379, %get3A_385 : vector<16xf32>
      %get3A_387 = arith.constant 9 : i32
      %get3A_388 = arith.index_cast %get3A_387 : i32 to index
      %get3A_389 = arith.index_cast %scan3A_252 : i32 to index
      %get3A_390 = arith.constant 16 : index
      %get3A_391 = tpu.vector_load %arg6[%get3A_388, %get3A_389, %get3A_390] {strides = array<i32>} : memref<10x128x64xf32, #tpu.memory_space<vmem>>, vector<1x1x16xf32>,
      %get3A_392 = vector.shape_cast %get3A_391 : vector<1x1x16xf32> to vector<16xf32>
      %add3A_393 = arith.addf %add3A_386, %get3A_392 : vector<16xf32>
      %swap3A_394 = arith.index_cast %scan3A_252 : i32 to index
      %swap3A_395 = arith.constant 16 : index
      %swap3A_396 = tpu.vector_load %arg7[%swap3A_394, %swap3A_395] {strides = array<i32>} : memref<128x64xf32, #tpu.memory_space<vmem>>, vector<1x16xf32>,
      %swap3A_397 = vector.shape_cast %swap3A_396 : vector<1x16xf32> to vector<16xf32>
      %swap3A_398 = vector.shape_cast %add3A_393 : vector<16xf32> to vector<1x16xf32>
      tpu.vector_store %arg7[%swap3A_394, %swap3A_395], %swap3A_398 {strides = array<i32>} : memref<128x64xf32, #tpu.memory_space<vmem>>, vector<1x16xf32>,
      %get3A_399 = arith.constant 0 : i32
      %get3A_400 = arith.index_cast %get3A_399 : i32 to index
      %get3A_401 = arith.index_cast %scan3A_252 : i32 to index
      %get3A_402 = arith.constant 32 : index
      %get3A_403 = tpu.vector_load %arg6[%get3A_400, %get3A_401, %get3A_402] {strides = array<i32>} : memref<10x128x64xf32, #tpu.memory_space<vmem>>, vector<1x1x16xf32>,
      %get3A_404 = vector.shape_cast %get3A_403 : vector<1x1x16xf32> to vector<16xf32>
      %get3A_405 = arith.constant 1 : i32
      %get3A_406 = arith.index_cast %get3A_405 : i32 to index
      %get3A_407 = arith.index_cast %scan3A_252 : i32 to index
      %get3A_408 = arith.constant 32 : index
      %get3A_409 = tpu.vector_load %arg6[%get3A_406, %get3A_407, %get3A_408] {strides = array<i32>} : memref<10x128x64xf32, #tpu.memory_space<vmem>>, vector<1x1x16xf32>,
      %get3A_410 = vector.shape_cast %get3A_409 : vector<1x1x16xf32> to vector<16xf32>
      %add3A_411 = arith.addf %get3A_404, %get3A_410 : vector<16xf32>
      %get3A_412 = arith.constant 2 : i32
      %get3A_413 = arith.index_cast %get3A_412 : i32 to index
      %get3A_414 = arith.index_cast %scan3A_252 : i32 to index
      %get3A_415 = arith.constant 32 : index
      %get3A_416 = tpu.vector_load %arg6[%get3A_413, %get3A_414, %get3A_415] {strides = array<i32>} : memref<10x128x64xf32, #tpu.memory_space<vmem>>, vector<1x1x16xf32>,
      %get3A_417 = vector.shape_cast %get3A_416 : vector<1x1x16xf32> to vector<16xf32>
      %add3A_418 = arith.addf %add3A_411, %get3A_417 : vector<16xf32>
      %get3A_419 = arith.constant 3 : i32
      %get3A_420 = arith.index_cast %get3A_419 : i32 to index
      %get3A_421 = arith.index_cast %scan3A_252 : i32 to index
      %get3A_422 = arith.constant 32 : index
      %get3A_423 = tpu.vector_load %arg6[%get3A_420, %get3A_421, %get3A_422] {strides = array<i32>} : memref<10x128x64xf32, #tpu.memory_space<vmem>>, vector<1x1x16xf32>,
      %get3A_424 = vector.shape_cast %get3A_423 : vector<1x1x16xf32> to vector<16xf32>
      %add3A_425 = arith.addf %add3A_418, %get3A_424 : vector<16xf32>
      %get3A_426 = arith.constant 4 : i32
      %get3A_427 = arith.index_cast %get3A_426 : i32 to index
      %get3A_428 = arith.index_cast %scan3A_252 : i32 to index
      %get3A_429 = arith.constant 32 : index
      %get3A_430 = tpu.vector_load %arg6[%get3A_427, %get3A_428, %get3A_429] {strides = array<i32>} : memref<10x128x64xf32, #tpu.memory_space<vmem>>, vector<1x1x16xf32>,
      %get3A_431 = vector.shape_cast %get3A_430 : vector<1x1x16xf32> to vector<16xf32>
      %add3A_432 = arith.addf %add3A_425, %get3A_431 : vector<16xf32>
      %get3A_433 = arith.constant 5 : i32
      %get3A_434 = arith.index_cast %get3A_433 : i32 to index
      %get3A_435 = arith.index_cast %scan3A_252 : i32 to index
      %get3A_436 = arith.constant 32 : index
      %get3A_437 = tpu.vector_load %arg6[%get3A_434, %get3A_435, %get3A_436] {strides = array<i32>} : memref<10x128x64xf32, #tpu.memory_space<vmem>>, vector<1x1x16xf32>,
      %get3A_438 = vector.shape_cast %get3A_437 : vector<1x1x16xf32> to vector<16xf32>
      %add3A_439 = arith.addf %add3A_432, %get3A_438 : vector<16xf32>
      %get3A_440 = arith.constant 6 : i32
      %get3A_441 = arith.index_cast %get3A_440 : i32 to index
      %get3A_442 = arith.index_cast %scan3A_252 : i32 to index
      %get3A_443 = arith.constant 32 : index
      %get3A_444 = tpu.vector_load %arg6[%get3A_441, %get3A_442, %get3A_443] {strides = array<i32>} : memref<10x128x64xf32, #tpu.memory_space<vmem>>, vector<1x1x16xf32>,
      %get3A_445 = vector.shape_cast %get3A_444 : vector<1x1x16xf32> to vector<16xf32>
      %add3A_446 = arith.addf %add3A_439, %get3A_445 : vector<16xf32>
      %get3A_447 = arith.constant 7 : i32
      %get3A_448 = arith.index_cast %get3A_447 : i32 to index
      %get3A_449 = arith.index_cast %scan3A_252 : i32 to index
      %get3A_450 = arith.constant 32 : index
      %get3A_451 = tpu.vector_load %arg6[%get3A_448, %get3A_449, %get3A_450] {strides = array<i32>} : memref<10x128x64xf32, #tpu.memory_space<vmem>>, vector<1x1x16xf32>,
      %get3A_452 = vector.shape_cast %get3A_451 : vector<1x1x16xf32> to vector<16xf32>
      %add3A_453 = arith.addf %add3A_446, %get3A_452 : vector<16xf32>
      %get3A_454 = arith.constant 8 : i32
      %get3A_455 = arith.index_cast %get3A_454 : i32 to index
      %get3A_456 = arith.index_cast %scan3A_252 : i32 to index
      %get3A_457 = arith.constant 32 : index
      %get3A_458 = tpu.vector_load %arg6[%get3A_455, %get3A_456, %get3A_457] {strides = array<i32>} : memref<10x128x64xf32, #tpu.memory_space<vmem>>, vector<1x1x16xf32>,
      %get3A_459 = vector.shape_cast %get3A_458 : vector<1x1x16xf32> to vector<16xf32>
      %add3A_460 = arith.addf %add3A_453, %get3A_459 : vector<16xf32>
      %get3A_461 = arith.constant 9 : i32
      %get3A_462 = arith.index_cast %get3A_461 : i32 to index
      %get3A_463 = arith.index_cast %scan3A_252 : i32 to index
      %get3A_464 = arith.constant 32 : index
      %get3A_465 = tpu.vector_load %arg6[%get3A_462, %get3A_463, %get3A_464] {strides = array<i32>} : memref<10x128x64xf32, #tpu.memory_space<vmem>>, vector<1x1x16xf32>,
      %get3A_466 = vector.shape_cast %get3A_465 : vector<1x1x16xf32> to vector<16xf32>
      %add3A_467 = arith.addf %add3A_460, %get3A_466 : vector<16xf32>
      %swap3A_468 = arith.index_cast %scan3A_252 : i32 to index
      %swap3A_469 = arith.constant 32 : index
      %swap3A_470 = tpu.vector_load %arg7[%swap3A_468, %swap3A_469] {strides = array<i32>} : memref<128x64xf32, #tpu.memory_space<vmem>>, vector<1x16xf32>,
      %swap3A_471 = vector.shape_cast %swap3A_470 : vector<1x16xf32> to vector<16xf32>
      %swap3A_472 = vector.shape_cast %add3A_467 : vector<16xf32> to vector<1x16xf32>
      tpu.vector_store %arg7[%swap3A_468, %swap3A_469], %swap3A_472 {strides = array<i32>} : memref<128x64xf32, #tpu.memory_space<vmem>>, vector<1x16xf32>,
      %get3A_473 = arith.constant 0 : i32
      %get3A_474 = arith.index_cast %get3A_473 : i32 to index
      %get3A_475 = arith.index_cast %scan3A_252 : i32 to index
      %get3A_476 = arith.constant 48 : index
      %get3A_477 = tpu.vector_load %arg6[%get3A_474, %get3A_475, %get3A_476] {strides = array<i32>} : memref<10x128x64xf32, #tpu.memory_space<vmem>>, vector<1x1x16xf32>,
      %get3A_478 = vector.shape_cast %get3A_477 : vector<1x1x16xf32> to vector<16xf32>
      %get3A_479 = arith.constant 1 : i32
      %get3A_480 = arith.index_cast %get3A_479 : i32 to index
      %get3A_481 = arith.index_cast %scan3A_252 : i32 to index
      %get3A_482 = arith.constant 48 : index
      %get3A_483 = tpu.vector_load %arg6[%get3A_480, %get3A_481, %get3A_482] {strides = array<i32>} : memref<10x128x64xf32, #tpu.memory_space<vmem>>, vector<1x1x16xf32>,
      %get3A_484 = vector.shape_cast %get3A_483 : vector<1x1x16xf32> to vector<16xf32>
      %add3A_485 = arith.addf %get3A_478, %get3A_484 : vector<16xf32>
      %get3A_486 = arith.constant 2 : i32
      %get3A_487 = arith.index_cast %get3A_486 : i32 to index
      %get3A_488 = arith.index_cast %scan3A_252 : i32 to index
      %get3A_489 = arith.constant 48 : index
      %get3A_490 = tpu.vector_load %arg6[%get3A_487, %get3A_488, %get3A_489] {strides = array<i32>} : memref<10x128x64xf32, #tpu.memory_space<vmem>>, vector<1x1x16xf32>,
      %get3A_491 = vector.shape_cast %get3A_490 : vector<1x1x16xf32> to vector<16xf32>
      %add3A_492 = arith.addf %add3A_485, %get3A_491 : vector<16xf32>
      %get3A_493 = arith.constant 3 : i32
      %get3A_494 = arith.index_cast %get3A_493 : i32 to index
      %get3A_495 = arith.index_cast %scan3A_252 : i32 to index
      %get3A_496 = arith.constant 48 : index
      %get3A_497 = tpu.vector_load %arg6[%get3A_494, %get3A_495, %get3A_496] {strides = array<i32>} : memref<10x128x64xf32, #tpu.memory_space<vmem>>, vector<1x1x16xf32>,
      %get3A_498 = vector.shape_cast %get3A_497 : vector<1x1x16xf32> to vector<16xf32>
      %add3A_499 = arith.addf %add3A_492, %get3A_498 : vector<16xf32>
      %get3A_500 = arith.constant 4 : i32
      %get3A_501 = arith.index_cast %get3A_500 : i32 to index
      %get3A_502 = arith.index_cast %scan3A_252 : i32 to index
      %get3A_503 = arith.constant 48 : index
      %get3A_504 = tpu.vector_load %arg6[%get3A_501, %get3A_502, %get3A_503] {strides = array<i32>} : memref<10x128x64xf32, #tpu.memory_space<vmem>>, vector<1x1x16xf32>,
      %get3A_505 = vector.shape_cast %get3A_504 : vector<1x1x16xf32> to vector<16xf32>
      %add3A_506 = arith.addf %add3A_499, %get3A_505 : vector<16xf32>
      %get3A_507 = arith.constant 5 : i32
      %get3A_508 = arith.index_cast %get3A_507 : i32 to index
      %get3A_509 = arith.index_cast %scan3A_252 : i32 to index
      %get3A_510 = arith.constant 48 : index
      %get3A_511 = tpu.vector_load %arg6[%get3A_508, %get3A_509, %get3A_510] {strides = array<i32>} : memref<10x128x64xf32, #tpu.memory_space<vmem>>, vector<1x1x16xf32>,
      %get3A_512 = vector.shape_cast %get3A_511 : vector<1x1x16xf32> to vector<16xf32>
      %add3A_513 = arith.addf %add3A_506, %get3A_512 : vector<16xf32>
      %get3A_514 = arith.constant 6 : i32
      %get3A_515 = arith.index_cast %get3A_514 : i32 to index
      %get3A_516 = arith.index_cast %scan3A_252 : i32 to index
      %get3A_517 = arith.constant 48 : index
      %get3A_518 = tpu.vector_load %arg6[%get3A_515, %get3A_516, %get3A_517] {strides = array<i32>} : memref<10x128x64xf32, #tpu.memory_space<vmem>>, vector<1x1x16xf32>,
      %get3A_519 = vector.shape_cast %get3A_518 : vector<1x1x16xf32> to vector<16xf32>
      %add3A_520 = arith.addf %add3A_513, %get3A_519 : vector<16xf32>
      %get3A_521 = arith.constant 7 : i32
      %get3A_522 = arith.index_cast %get3A_521 : i32 to index
      %get3A_523 = arith.index_cast %scan3A_252 : i32 to index
      %get3A_524 = arith.constant 48 : index
      %get3A_525 = tpu.vector_load %arg6[%get3A_522, %get3A_523, %get3A_524] {strides = array<i32>} : memref<10x128x64xf32, #tpu.memory_space<vmem>>, vector<1x1x16xf32>,
      %get3A_526 = vector.shape_cast %get3A_525 : vector<1x1x16xf32> to vector<16xf32>
      %add3A_527 = arith.addf %add3A_520, %get3A_526 : vector<16xf32>
      %get3A_528 = arith.constant 8 : i32
      %get3A_529 = arith.index_cast %get3A_528 : i32 to index
      %get3A_530 = arith.index_cast %scan3A_252 : i32 to index
      %get3A_531 = arith.constant 48 : index
      %get3A_532 = tpu.vector_load %arg6[%get3A_529, %get3A_530, %get3A_531] {strides = array<i32>} : memref<10x128x64xf32, #tpu.memory_space<vmem>>, vector<1x1x16xf32>,
      %get3A_533 = vector.shape_cast %get3A_532 : vector<1x1x16xf32> to vector<16xf32>
      %add3A_534 = arith.addf %add3A_527, %get3A_533 : vector<16xf32>
      %get3A_535 = arith.constant 9 : i32
      %get3A_536 = arith.index_cast %get3A_535 : i32 to index
      %get3A_537 = arith.index_cast %scan3A_252 : i32 to index
      %get3A_538 = arith.constant 48 : index
      %get3A_539 = tpu.vector_load %arg6[%get3A_536, %get3A_537, %get3A_538] {strides = array<i32>} : memref<10x128x64xf32, #tpu.memory_space<vmem>>, vector<1x1x16xf32>,
      %get3A_540 = vector.shape_cast %get3A_539 : vector<1x1x16xf32> to vector<16xf32>
      %add3A_541 = arith.addf %add3A_534, %get3A_540 : vector<16xf32>
      %swap3A_542 = arith.index_cast %scan3A_252 : i32 to index
      %swap3A_543 = arith.constant 48 : index
      %swap3A_544 = tpu.vector_load %arg7[%swap3A_542, %swap3A_543] {strides = array<i32>} : memref<128x64xf32, #tpu.memory_space<vmem>>, vector<1x16xf32>,
      %swap3A_545 = vector.shape_cast %swap3A_544 : vector<1x16xf32> to vector<16xf32>
      %swap3A_546 = vector.shape_cast %add3A_541 : vector<16xf32> to vector<1x16xf32>
      tpu.vector_store %arg7[%swap3A_542, %swap3A_543], %swap3A_546 {strides = array<i32>} : memref<128x64xf32, #tpu.memory_space<vmem>>, vector<1x16xf32>,
    }
    %scan3A_251 = arith.constant 128 : i32
    "tpu.region"() ({
      %run_scoped3A = tpu.sem_alloc : memref<!tpu.dma_semaphore, #tpu.memory_space<semaphore_mem>>
      %dma_start3A_252 = arith.constant 0 : i32
      %dma_start3A_253 = tpu.memref_slice %arg4[%mul3A_2, %dma_start3A_252] : memref<4096x64xf32, #tpu.memory_space<hbm>> -> memref<128x64xf32, #tpu.memory_space<hbm>>
      %dma_start3A_254 = arith.constant 0 : i32
      %dma_start3A_255 = tpu.memref_slice %arg4[%mul3A_2, %dma_start3A_254] : memref<4096x64xf32, #tpu.memory_space<hbm>> -> memref<128x64xf32, #tpu.memory_space<hbm>>
      tpu.enqueue_dma source(%arg7 : memref<128x64xf32, #tpu.memory_space<vmem>>) target(%dma_start3A_255 : memref<128x64xf32, #tpu.memory_space<hbm>>) target_semaphore(%run_scoped3A : memref<!tpu.dma_semaphore, #tpu.memory_space<semaphore_mem>>)
      %dma_wait3A_256 = arith.constant 0 : i32
      %dma_wait3A_257 = tpu.memref_slice %arg4[%mul3A_2, %dma_wait3A_256] : memref<4096x64xf32, #tpu.memory_space<hbm>> -> memref<128x64xf32, #tpu.memory_space<hbm>>
      %dma_wait3A_258 = arith.constant 0 : i32
      %dma_wait3A_259 = tpu.memref_slice %arg4[%mul3A_2, %dma_wait3A_258] : memref<4096x64xf32, #tpu.memory_space<hbm>> -> memref<128x64xf32, #tpu.memory_space<hbm>>
      tpu.wait_dma2 semaphore(%run_scoped3A : memref<!tpu.dma_semaphore, #tpu.memory_space<semaphore_mem>>) src(%arg7 : memref<128x64xf32, #tpu.memory_space<vmem>>) dst(%dma_wait3A_259 : memref<128x64xf32, #tpu.memory_space<hbm>>)
      tpu.yield
    }) : () -> ()
    return
  }
}

module attributes {stable_mosaic.version = 14 : i64} {
  func.func @_mlp_body(%arg0: i32, %arg1: memref<512x64xf32, #tpu.memory_space<vmem>>, %arg2: memref<64x256xf32, #tpu.memory_space<vmem>>, %arg3: memref<1x256xf32, #tpu.memory_space<vmem>>, %arg4: memref<256x2xf32, #tpu.memory_space<vmem>>, %arg5: memref<1x2xf32, #tpu.memory_space<vmem>>, %arg6: memref<512x2xf32, #tpu.memory_space<vmem>>) attributes {dimension_semantics = [#tpu.dimension_semantics<arbitrary>], iteration_bounds = array<i64: 8>, scalar_prefetch = 0 : i64, scratch_operands = 0 : i64, tpu.core_type = #tpu.core_type<tc>, window_params = [{transform_indices = @transform_0, window_bounds = array<i64: 512, 64>}, {pipeline_mode = #tpu.pipeline_mode<synchronous>, transform_indices = @transform_1, window_bounds = array<i64: 64, 256>}, {pipeline_mode = #tpu.pipeline_mode<synchronous>, transform_indices = @transform_2, window_bounds = array<i64: 1, 256>}, {pipeline_mode = #tpu.pipeline_mode<synchronous>, transform_indices = @transform_3, window_bounds = array<i64: 256, 2>}, {pipeline_mode = #tpu.pipeline_mode<synchronous>, transform_indices = @transform_4, window_bounds = array<i64: 1, 2>}, {transform_indices = @transform_5, window_bounds = array<i64: 512, 2>}]} {
    %get3A = arith.constant 0 : index
    %get3A_0 = arith.constant 0 : index
    %get3A_1 = vector.load %arg1[%get3A, %get3A_0] : memref<512x64xf32, #tpu.memory_space<vmem>>, vector<512x64xf32>
    %get3A_2 = arith.constant 0 : index
    %get3A_3 = arith.constant 0 : index
    %get3A_4 = vector.load %arg2[%get3A_2, %get3A_3] : memref<64x256xf32, #tpu.memory_space<vmem>>, vector<64x256xf32>
    %dot_general3A = arith.constant dense<0.000000e+00> : vector<512x256xf32>
    %dot_general3A_5 = tpu.matmul %get3A_1, %get3A_4, %dot_general3A {dimension_numbers = #tpu.dot_dimension_numbers<[1], [0], [0], [1], [0, 0, 1, 1], [], []>, transpose_lhs_hint = false} : vector<512x64xf32>, vector<64x256xf32>, vector<512x256xf32> -> vector<512x256xf32>
    %get3A_6 = arith.constant 0 : index
    %get3A_7 = arith.constant 0 : index
    %get3A_8 = vector.load %arg3[%get3A_6, %get3A_7] : memref<1x256xf32, #tpu.memory_space<vmem>>, vector<1x256xf32>
    %add3A = vector.broadcast %get3A_8 : vector<1x256xf32> to vector<512x256xf32>
    %add3A_9 = arith.addf %dot_general3A_5, %add3A : vector<512x256xf32>
    %max3A = arith.constant 0.000000e+00 : f32
    %max3A_10 = vector.broadcast %max3A : f32 to vector<512x256xf32>
    %max3A_11 = arith.maximumf %add3A_9, %max3A_10 : vector<512x256xf32>
    %get3A_12 = arith.constant 0 : index
    %get3A_13 = arith.constant 0 : index
    %get3A_14 = vector.load %arg4[%get3A_12, %get3A_13] : memref<256x2xf32, #tpu.memory_space<vmem>>, vector<256x2xf32>
    %dot_general3A_15 = arith.constant dense<0.000000e+00> : vector<512x2xf32>
    %dot_general3A_16 = tpu.matmul %max3A_11, %get3A_14, %dot_general3A_15 {dimension_numbers = #tpu.dot_dimension_numbers<[1], [0], [0], [1], [0, 0, 1, 1], [], []>, transpose_lhs_hint = false} : vector<512x256xf32>, vector<256x2xf32>, vector<512x2xf32> -> vector<512x2xf32>
    %get3A_17 = arith.constant 0 : index
    %get3A_18 = arith.constant 0 : index
    %get3A_19 = vector.load %arg5[%get3A_17, %get3A_18] : memref<1x2xf32, #tpu.memory_space<vmem>>, vector<1x2xf32>
    %add3A_20 = vector.broadcast %get3A_19 : vector<1x2xf32> to vector<512x2xf32>
    %add3A_21 = arith.addf %dot_general3A_16, %add3A_20 : vector<512x2xf32>
    %swap3A = arith.constant 0 : index
    %swap3A_22 = arith.constant 0 : index
    %swap3A_23 = vector.load %arg6[%swap3A, %swap3A_22] : memref<512x2xf32, #tpu.memory_space<vmem>>, vector<512x2xf32>
    tpu.vector_store %arg6[%swap3A, %swap3A_22], %add3A_21 {strides = array<i32>} : memref<512x2xf32, #tpu.memory_space<vmem>>, vector<512x2xf32>,
    return
  }
  func.func @transform_0(%arg0: i32) -> (i32, i32) {
    %c0_i32 = arith.constant 0 : i32
    %c0_i32_0 = arith.constant 0 : i32
    return %arg0, %c0_i32 : i32, i32
  }
  func.func @transform_1(%arg0: i32) -> (i32, i32) {
    %c0_i32 = arith.constant 0 : i32
    %c0_i32_0 = arith.constant 0 : i32
    %c0_i32_1 = arith.constant 0 : i32
    return %c0_i32, %c0_i32_0 : i32, i32
  }
  func.func @transform_2(%arg0: i32) -> (i32, i32) {
    %c0_i32 = arith.constant 0 : i32
    %c0_i32_0 = arith.constant 0 : i32
    %c0_i32_1 = arith.constant 0 : i32
    return %c0_i32, %c0_i32_0 : i32, i32
  }
  func.func @transform_3(%arg0: i32) -> (i32, i32) {
    %c0_i32 = arith.constant 0 : i32
    %c0_i32_0 = arith.constant 0 : i32
    %c0_i32_1 = arith.constant 0 : i32
    return %c0_i32, %c0_i32_0 : i32, i32
  }
  func.func @transform_4(%arg0: i32) -> (i32, i32) {
    %c0_i32 = arith.constant 0 : i32
    %c0_i32_0 = arith.constant 0 : i32
    %c0_i32_1 = arith.constant 0 : i32
    return %c0_i32, %c0_i32_0 : i32, i32
  }
  func.func @transform_5(%arg0: i32) -> (i32, i32) {
    %c0_i32 = arith.constant 0 : i32
    %c0_i32_0 = arith.constant 0 : i32
    return %arg0, %c0_i32 : i32, i32
  }
}

</mosaic_0001>

<sc_bundles>
// kernel: kernel.4.cloned.1.call-start
scs
__scs_entry_jumppad:
0x0: {  	(pc) =	sbr.rel $0x88, $3  }
0x1: {  	(tag) =	ssettag $0x0;
	lr =	simm.s32 $0x1  }
0x2: {  	[smem:$0x3F9B] =	sst lr;
	_ =	strace $0xD0000000  }
0x3: {  	_ = 	snop  }
0x4: {  	_ = 	snop  }
0x5: {  	_ = 	snop  }
0x6: {  	_ = 	snop  }
0x7: {  	_ = 	snop  }
__scs_overlays_trampoline_lowered:
0x8: {  	[smem:$0x3FAA] =	sst s0  }
0x9: {  	[smem:$0x3FAB] =	sst s1  }
0xa: {  	[smem:$0x3FAC] =	sst s2  }
0xb: {  	[smem:$0x3FAD] =	sst s3  }
0xc: {  	[smem:$0x3FAE] =	sst s4  }
0xd: {  	[smem:$0x3FAF] =	sst s5  }
0xe: {  	[smem:$0x3FB0] =	sst s6  }
0xf: {  	[smem:$0x3FB1] =	sst s7  }
0x10: {  	[smem:$0x3FB2] =	sst s8  }
0x11: {  	[smem:$0x3FB3] =	sst s9;
	s0 =	simm.s32 @!p0 $0x0  }
0x12: {  	s1 =	sld [smem:$0x3F99];
	s0 =	simm.s32 @p0 $0x1  }
0x13: {  	[smem:$0x3FB4] =	sst s0;
	s0 =	simm.s32 @!p1 $0x0  }
0x14: {  	s2 =	sld [smem:$0x3F98];
	s0 =	simm.s32 @p1 $0x1  }
0x15: {  	[smem:$0x3FB5] =	sst s0;
	s0 =	simm.s32 @!p2 $0x0  }
0x16: {  	s3 =	sld [smem:$0x3FDB];
	s0 =	simm.s32 @p2 $0x1  }
0x17: {  	s4 =	simm.s32 $0x1BF5;
	[smem:$0x3FB7] =	sst s0  }
0x18: {  	s0 =	sld [smem:$0x3F9A];
	_ =	swait.ge [sflag:s4], $0x0  }
0x19: {  	s7 =	sld [smem:$0x3F9B]  }
0x1a: {  	s8 =	sadd.s32 $0xFFFFE003, lr  }
0x1b: {  	s9 =	sadd.s32 $0xFFFFFEF7, lr;
	s5 =	simm.s32 $0xFFFFFFFF;
	p2 =	slt.u32 s8, $0xFFFFF086  }
0x1c: {  	p1 =	slt.u32 s9, $0xF7A;
	s5 =	simm.s32 @!p2 $0x0  }
0x1d: {  	s5 =	simm.s32 @p1 $0x1;
	p0 =	seq.s32 s7, s2  }
0x1e: {  	s7 =	smul.u32 @!p0 $0xF7A, s2;
	p2 =	seq.s32 @!p0 s5, $0x0  }
0x1f: {  	s9 =	smul.u32 $0xF7A, s1;
	s8 =	simm.s32 @!p0 $0x1BF5;
	p2 =	por !p2, p0  }
0x20: {  	[sflag:s8] =	ssyncset.s32 @!p0 $0xFFFFF086;
	s6 =	sadd.s32 @!p0 s3, s7;
	s7 =	simm.s32 @!p0 $0x108  }
0x21: {  	s3 =	sadd.s32 s3, s9;
	s6 =	sadd.s32 @!p0 $0x88, s6;
	s7 =	simm.s32 @p2 $0x1082  }
0x22: {  	[simem:s7], [sflag:s8] =	dma.local @!p0 [hbm:s6], $0xF7A  }
0x23: {  	s9 =	sor.u32 $0xD0000000, s2;
	s6 =	simm.s32 $0x108;
	_ =	swait.ge @!p0 [sflag:s8], $0x0  }
0x24: {  	s3 =	sadd.s32 $0x88, s3;
	s6 =	simm.s32 @!p1 $0x1082;
	[sflag:s4] =	ssyncset.s32 $0xFFFFF086  }
0x25: {  	[simem:s6], [sflag:s4] =	dma.local [hbm:s3], $0xF7A  }
0x26: {  	[smem:$0x3F9B] =	sst s1;
	(tag) =	ssettag s2;
	_ =	strace s9  }
0x27: {  	s1 =	sld [smem:$0x3FAB]  }
0x28: {  	s2 =	sld [smem:$0x3FAC]  }
0x29: {  	s4 =	sld [smem:$0x3FAE]  }
0x2a: {  	p0 =	seq.s32 s5, $0x0;
	s5 =	sld [smem:$0x3FAF]  }
0x2b: {  	s6 =	sld [smem:$0x3FB0]  }
0x2c: {  	s7 =	sld [smem:$0x3FB1]  }
0x2d: {  	s3 =	simm.s32 $0x108;
	s8 =	sld [smem:$0x3FB2]  }
0x2e: {  	s3 =	simm.s32 @!p0 $0x1082;
	s9 =	sld [smem:$0x3FB3]  }
0x2f: {  	lr =	sadd.s32 s0, s3;
	s0 =	sld [smem:$0x3FAA]  }
0x30: {  	s3 =	sld [smem:$0x3FAD]  }
0x31: {  	[smem:$0x3FB6] =	sst s10  }
0x32: {  	s10 =	sld [smem:$0x3FB4];
	_ =	sdelay $0x3  }
0x33: {  	p0 =	seq.s32 s10, $0x1;
	s10 =	sld [smem:$0x3FB6];
	_ =	sdelay $0x3  }
0x34: {  	[smem:$0x3FB6] =	sst s10  }
0x35: {  	s10 =	sld [smem:$0x3FB5];
	_ =	sdelay $0x3  }
0x36: {  	p1 =	seq.s32 s10, $0x1;
	s10 =	sld [smem:$0x3FB6];
	_ =	sdelay $0x3  }
0x37: {  	[smem:$0x3FB6] =	sst s10  }
0x38: {  	s10 =	sld [smem:$0x3FB7]  }
0x39: {  	_ = 	snop;
	(pc) =	sbr.ind lr, $3  }
0x3a: {  	_ = 	snop  }
0x3b: {  	_ = 	snop  }
0x3c: {  	p2 =	seq.s32 s10, $0x1;
	s10 =	sld [smem:$0x3FB6]  }
0x3d: {  	_ =	shalt  }
0x3e: {  	_ =	shalt  }
0x3f: {  	_ =	shalt  }
0x40: {  	_ =	shalt  }
0x41: {  	_ =	shalt  }
0x42: {  	_ =	shalt  }
0x43: {  	_ =	shalt  }
0x44: {  	_ =	shalt  }
0x45: {  	_ =	shalt  }
0x46: {  	_ =	shalt  }
0x47: {  	_ =	shalt  }
0x48: {  	_ =	shalt  }
0x49: {  	_ =	shalt  }
0x4a: {  	_ =	shalt  }
0x4b: {  	_ =	shalt  }
0x4c: {  	_ =	shalt  }
0x4d: {  	_ =	shalt  }
0x4e: {  	_ =	shalt  }
0x4f: {  	_ =	shalt  }
0x50: {  	_ =	shalt  }
0x51: {  	_ =	shalt  }
0x52: {  	_ =	shalt  }
0x53: {  	_ =	shalt  }
0x54: {  	_ =	shalt  }
0x55: {  	_ =	shalt  }
0x56: {  	_ =	shalt  }
0x57: {  	_ =	shalt  }
0x58: {  	_ =	shalt  }
0x59: {  	_ =	shalt  }
0x5a: {  	_ =	shalt  }
0x5b: {  	_ =	shalt  }
0x5c: {  	_ =	shalt  }
0x5d: {  	_ =	shalt  }
0x5e: {  	_ =	shalt  }
0x5f: {  	_ =	shalt  }
0x60: {  	_ =	shalt  }
0x61: {  	_ =	shalt  }
0x62: {  	_ =	shalt  }
0x63: {  	_ =	shalt  }
0x64: {  	_ =	shalt  }
0x65: {  	_ =	shalt  }
0x66: {  	_ =	shalt  }
0x67: {  	_ =	shalt  }
0x68: {  	_ =	shalt  }
0x69: {  	_ =	shalt  }
0x6a: {  	_ =	shalt  }
0x6b: {  	_ =	shalt  }
0x6c: {  	_ =	shalt  }
0x6d: {  	_ =	shalt  }
0x6e: {  	_ =	shalt  }
0x6f: {  	_ =	shalt  }
0x70: {  	_ =	shalt  }
0x71: {  	_ =	shalt  }
0x72: {  	_ =	shalt  }
0x73: {  	_ =	shalt  }
0x74: {  	_ =	shalt  }
0x75: {  	_ =	shalt  }
0x76: {  	_ =	shalt  }
0x77: {  	_ =	shalt  }
0x78: {  	_ =	shalt  }
0x79: {  	_ =	shalt  }
0x7a: {  	_ =	shalt  }
0x7b: {  	_ =	shalt  }
0x7c: {  	_ =	shalt  }
0x7d: {  	_ =	shalt  }
0x7e: {  	_ =	shalt  }
0x7f: {  	_ =	shalt  }
0x80: {  	_ =	shalt  }
0x81: {  	_ =	shalt  }
0x82: {  	_ =	shalt  }
0x83: {  	_ =	shalt  }
0x84: {  	_ =	shalt  }
0x85: {  	_ =	shalt  }
0x86: {  	_ =	shalt  }
0x87: {  	_ =	shalt  }
.Lfunc_end0:
.L_simem_size_0:
called_computation_lowered:
.L_overlay_start_0:
0x88: {  	s2 =	sld [smem:$0x3FD9]  }
0x89: {  	s3 =	sld [smem:$0x3FFE];
	_ =	sdelay $0x1  }
0x8a: {  	s1 =	srdreg.scid  }
0x8b: {  	s0 =	sand.u32 $0x1, s1  }
0x8c: {  	s16 =	sshll.u32 s0, $0xA;
	s2 =	sadd.s32 s3, s2  }
0x8d: {  	s2 =	sadd.s32 s2, s16  }
0x8e: {  	[smem:$0x3FC2] =	sst s2  }
0x8f: {  	_ = 	snop  }
0x90: {  	(tm) =	ssettm $0x1  }
0x91: {  	s17 =	sld [smem:$0x3FFB];
	_ =	sdelay $0x3  }
0x92: {  	_ =	strace s17  }
0x93: {  	s2 =	sld [smem:$0x3FFC];
	_ =	sdelay $0x3  }
0x94: {  	_ =	strace s2  }
0x95: {  	s2 =	sld [smem:$0x3FFD];
	_ =	sdelay $0x3  }
0x96: {  	_ =	strace s2  }
0x97: {  	_ =	strace $0x8FFFFFFF  }
0x98: {  	s18 =	sld [smem:$0x3FDB];
	_ =	sdelay $0x1  }
0x99: {  	s19 =	simm.s32 $_scs_section_size  }
0x9a: {  	s4 =	simm.s32 $_size__tile_overlayer_lowered;
	s5 =	simm.s32 $_tile_overlayer_lowered  }
0x9b: {  	s22 =	simm.s32 $0x1BFF;
	s21 =	sshll.u32 s5, $0x1;
	s2 =	sadd.s32 s19, s18  }
0x9c: {  	s6 =	simm.s32 $0x0;
	s20 =	sshll.u32 s4, $0x1;
	s4 =	sadd.s32 s21, s2  }
0x9d: {  	[timem:s6], [sflag:s22] =	dma.local [hbm:s4], s20  }
0x9e: {  	_ =	swait.ge [sflag:s22], s20  }
0x9f: {  	s3 =	ssub.s32 $0x0, s20;
	[sflag:s22] =	ssyncset.done $0x0  }
0xa0: {  	[sflag:s22] =	ssyncadd.s32 s3;
	_ =	sdelay $0x1  }
0xa1: {  	s23 =	simm.s32 $0x1B8B  }
0xa2: {  	_ =	swait.ge [sflag:s23], $0x1  }
0xa3: {  	[sflag:s23] =	ssyncset.done $0x0  }
0xa4: {  	s25 =	simm.s32 $0x1B8E;
	s24 =	sld [smem:$0x3FFE];
	[sflag:s23] =	ssyncadd.s32 $0xFFFFFFFF  }
0xa5: {  	s26 =	simm.s32 $execute0_lowered;
	[smem:$0x3FD2] =	sst s25  }
0xa6: {  	s4 =	sshll.u32 s26, $0x1;
	_ =	strace $0x80000046;
	[dreg:$0x1] =	wrdreg $0xFFFFFFFF  }
0xa7: {  	s28 =	simm.s32 $_size_execute0_lowered;
	s2 =	sadd.s32 s2, s4;
	[dreg:$0x0] =	wrdreg $0x0  }
0xa8: {  	s4 =	sshll.u32 s28, $0x1;
	[dreg:$0x2] =	wrdreg s2  }
0xa9: {  	[dreg:$0x3] =	wrdreg s4  }
0xaa: {  	[dreg:$0x4] =	wrdreg $0xC0  }
0xab: {  	_ =	task [dreg:s6], $0x5FFFF  }
0xac: {  	[dreg:$0x1] =	wrdreg $0xFFFFFFFF  }
0xad: {  	[dreg:$0x0] =	wrdreg $0x60  }
0xae: {  	[dreg:$0x2] =	wrdreg s24  }
0xaf: {  	[dreg:$0x3] =	wrdreg $0x9  }
0xb0: {  	_ =	task.clear_ibuf [dreg:s6], $0x4FFFF;
	_ =	strace $0x90000046  }
0xb1: {  	s29 =	simm.s32 $0x9;
	_ =	strace $0x80000048  }
0xb2: {  	_ =	swait.ge [sflag:s29], $0x1  }
0xb3: {  	[sflag:s29] =	ssyncadd.s32 $0xFFFFFFFF  }
0xb4: {  	_ =	strace $0x90000048  }
0xb5: {  	_ =	sfence  }
0xb6: {  	s30 =	sld [smem:$0x0];
	_ =	sdelay $0x2  }
0xb7: {  	s31 =	sshll.u32 s1, $0xD;
	s1 =	sshrl.u32 s1, $0x2  }
0xb8: {  	s3 =	sand.u32 $0x4000, s31;
	s1 =	sadd.s32 s1, s30  }
0xb9: {  	s0 =	sor.u32 s3, s0;
	s1 =	sshll.u32 s1, $0x11  }
0xba: {  	s0 =	sor.u32 s1, s0  }
0xbb: {  	s0 =	sadd.s32 $0x8F2B, s0  }
0xbc: {  	[sflag:s0] =	ssyncadd.remote.s32 $0x1  }
0xbd: {  	_ =	sfence.sel $0xFFFF  }
0xbe: {  	[dreg:$0x0] =	wrdreg $0xFFFFFFFF;
	(pc) =	sbr.abs _section_cstart, $3  }
0xbf: {  	[dreg:$0x1] =	wrdreg $0xFFFFFFFF  }
0xc0: {  	_ =	task.clear_ibuf [dreg:s6], $0x2FFFF;
	_ =	strace $0x9FFFFFFF  }
0xc1: {  	(tm) =	ssettm $0x7FFFFFFF  }
tec
execute0_lowered:
.L_overlay_start_1:
0x0: {  	(tag) =	ssettag $0x1  }
0x1: {  	s0 =	rddreg [dreg:$0x0];
	s1 =	srdreg.scid  }
0x2: {  	s3 =	stileid.u32;
	s2 =	simm.s32 $0x0;
	s7 =	simm.s32 $0x80  }
0x3: {  	s9 =	simm.s32 $0xB;
	s10 =	simm.s32 $0x6400;
	s11 =	simm.s32 $0x8400  }
0x4: {  	s13 =	simm.s32 $0xA400;
	s15 =	simm.s32 $0xC400;
	s17 =	simm.s32 $0xE400  }
0x5: {  	s19 =	simm.s32 $0x10400;
	s21 =	simm.s32 $0x12400;
	s23 =	simm.s32 $0x14400  }
0x6: {  	s25 =	simm.s32 $0x16400;
	s28 =	simm.s32 $0x18400;
	s29 =	simm.s32 $0x1  }
0x7: {  	s30 =	simm.s32 $0x2;
	s31 =	simm.s32 $0x3;
	s8 =	simm.s32 $0x6  }
0x8: {  	s12 =	simm.s32 $0x7;
	s14 =	simm.s32 $0x8;
	s16 =	simm.s32 $0x9  }
0x9: {  	s18 =	simm.s32 $0xA;
	s22 =	simm.s32 $0x0;
	s1 =	sand.u32 $0x1, s1  }
0xa: {  	s3 =	sshll.u32 s3, $0x8;
	[smem:$0x7FF] =	sst s2;
	s4 =	sshll.u32 s1, $0x7  }
0xb: {  	_ =	strace $0x80000047;
	s1 =	ssub.s32 $0x2, s1;
	s3 =	sor.u32 s4, s3  }
0xc: {  	s6 =	sshrl.u32 s1, $0x1;
	s4 =	sshrl.u32 s3, $0x3;
	s5 =	sshll.u32 s3, $0x3  }
0xd: {  	s3 =	sadd.s32 $0xF43200, s0;
	s1 =	ssub.s32 s1, s6;
	s4 =	sadd.s32 s4, s0  }
0xe: {  	s0 =	sadd.s32 s5, s0;
	s6 =	smax.u32 s1, $0x1;
	s1 =	simm.s32 $0x5  }
0xf: {  	s4 =	sadd.s32 $0xE00, s4;
	s5 =	sadd.s32 $0x19E00, s0;
	s0 =	simm.s32 $0x4  }
.LBB2_1:
0x10: {  	s20 =	simm.s32 $0x1000  }
0x11: {  	[tilespmem:s2], [sflag:$0xB] =	stream.strided.gather [hbm4b:s4+s7], $0x6400, s20, s7, $0x38;
	[tilespmem:$0x1C400] =	vst v63  }
0x12: {  	_ =	swait.ge [sflag:s9], $0x6400  }
0x13: {  	[sflag:s9] =	ssyncset.done $0x0  }
0x14: {  	[sflag:s9] =	ssyncadd.s32 $0xFFFF9C00  }
0x15: {  	[tilespmem:s10], [sflag:$0x1] =	stream.indirect.gather [hbm4b:s3+s7], $0x40, s2, s7, $0xb8;
	[tilespmem:$0x1C400] =	vst v63  }
0x16: {  	_ = 	snop  }
0x17: {  	[tilespmem:s11], [sflag:$0x2] =	stream.indirect.gather [hbm4b:s3+s7], $0x40, s7, s7, $0xb8;
	[tilespmem:$0x1C400] =	vst v63  }
0x18: {  	s26 =	simm.s32 $0x100  }
0x19: {  	[tilespmem:s13], [sflag:$0x3] =	stream.indirect.gather [hbm4b:s3+s7], $0x40, s26, s7, $0xb8;
	[tilespmem:$0x1C400] =	vst v63  }
0x1a: {  	s24 =	simm.s32 $0x180  }
0x1b: {  	[tilespmem:s15], [sflag:$0x4] =	stream.indirect.gather [hbm4b:s3+s7], $0x40, s24, s7, $0xb8;
	[tilespmem:$0x1C400] =	vst v63  }
0x1c: {  	s26 =	simm.s32 $0x200  }
0x1d: {  	[tilespmem:s17], [sflag:$0x5] =	stream.indirect.gather [hbm4b:s3+s7], $0x40, s26, s7, $0xb8;
	[tilespmem:$0x1C400] =	vst v63  }
0x1e: {  	s24 =	simm.s32 $0x280  }
0x1f: {  	[tilespmem:s19], [sflag:$0x6] =	stream.indirect.gather [hbm4b:s3+s7], $0x40, s24, s7, $0xb8;
	[tilespmem:$0x1C400] =	vst v63  }
0x20: {  	s26 =	simm.s32 $0x300  }
0x21: {  	[tilespmem:s21], [sflag:$0x7] =	stream.indirect.gather [hbm4b:s3+s7], $0x40, s26, s7, $0xb8;
	[tilespmem:$0x1C400] =	vst v63  }
0x22: {  	s24 =	simm.s32 $0x380  }
0x23: {  	[tilespmem:s23], [sflag:$0x8] =	stream.indirect.gather [hbm4b:s3+s7], $0x40, s24, s7, $0xb8;
	[tilespmem:$0x1C400] =	vst v63  }
0x24: {  	s26 =	simm.s32 $0x400  }
0x25: {  	[tilespmem:s25], [sflag:$0x9] =	stream.indirect.gather [hbm4b:s3+s7], $0x40, s26, s7, $0xb8;
	[tilespmem:$0x1C400] =	vst v63  }
0x26: {  	s24 =	simm.s32 $0x480  }
0x27: {  	[tilespmem:s28], [sflag:$0xA] =	stream.indirect.gather [hbm4b:s3+s7], $0x40, s24, s7, $0xb8;
	[tilespmem:$0x1C400] =	vst v63  }
0x28: {  	_ =	swait.ge [sflag:s29], $0x2000  }
0x29: {  	[sflag:s29] =	ssyncset.done $0x0  }
0x2a: {  	s26 =	simm.s32 $0x500;
	[sflag:s29] =	ssyncadd.s32 $0xFFFFE000  }
0x2b: {  	[tilespmem:s10], [sflag:$0x1] =	stream.indirect.gather.add.f32 [hbm:s3], $0x40, s26, s7, $0xb8;
	[tilespmem:$0x1C400] =	vst v63  }
0x2c: {  	_ =	swait.ge [sflag:s30], $0x2000  }
0x2d: {  	[sflag:s30] =	ssyncset.done $0x0  }
0x2e: {  	s24 =	simm.s32 $0x580;
	[sflag:s30] =	ssyncadd.s32 $0xFFFFE000  }
0x2f: {  	[tilespmem:s11], [sflag:$0x2] =	stream.indirect.gather.add.f32 [hbm:s3], $0x40, s24, s7, $0xb8;
	[tilespmem:$0x1C400] =	vst v63  }
0x30: {  	_ =	swait.ge [sflag:s31], $0x2000  }
0x31: {  	[sflag:s31] =	ssyncset.done $0x0  }
0x32: {  	s26 =	simm.s32 $0x600;
	[sflag:s31] =	ssyncadd.s32 $0xFFFFE000  }
0x33: {  	[tilespmem:s13], [sflag:$0x3] =	stream.indirect.gather.add.f32 [hbm:s3], $0x40, s26, s7, $0xb8;
	[tilespmem:$0x1C400] =	vst v63  }
0x34: {  	_ =	swait.ge [sflag:s0], $0x2000  }
0x35: {  	[sflag:s0] =	ssyncset.done $0x0  }
0x36: {  	s24 =	simm.s32 $0x680;
	[sflag:s0] =	ssyncadd.s32 $0xFFFFE000  }
0x37: {  	[tilespmem:s15], [sflag:$0x4] =	stream.indirect.gather.add.f32 [hbm:s3], $0x40, s24, s7, $0xb8;
	[tilespmem:$0x1C400] =	vst v63  }
0x38: {  	_ =	swait.ge [sflag:s1], $0x2000  }
0x39: {  	[sflag:s1] =	ssyncset.done $0x0  }
0x3a: {  	s26 =	simm.s32 $0x700;
	[sflag:s1] =	ssyncadd.s32 $0xFFFFE000  }
0x3b: {  	[tilespmem:s17], [sflag:$0x5] =	stream.indirect.gather.add.f32 [hbm:s3], $0x40, s26, s7, $0xb8;
	[tilespmem:$0x1C400] =	vst v63  }
0x3c: {  	_ =	swait.ge [sflag:s8], $0x2000  }
0x3d: {  	[sflag:s8] =	ssyncset.done $0x0  }
0x3e: {  	s24 =	simm.s32 $0x780;
	[sflag:s8] =	ssyncadd.s32 $0xFFFFE000  }
0x3f: {  	[tilespmem:s19], [sflag:$0x6] =	stream.indirect.gather.add.f32 [hbm:s3], $0x40, s24, s7, $0xb8;
	[tilespmem:$0x1C400] =	vst v63  }
0x40: {  	_ =	swait.ge [sflag:s12], $0x2000  }
0x41: {  	[sflag:s12] =	ssyncset.done $0x0  }
0x42: {  	s26 =	simm.s32 $0x800;
	[sflag:s12] =	ssyncadd.s32 $0xFFFFE000  }
0x43: {  	[tilespmem:s21], [sflag:$0x7] =	stream.indirect.gather.add.f32 [hbm:s3], $0x40, s26, s7, $0xb8;
	[tilespmem:$0x1C400] =	vst v63  }
0x44: {  	_ =	swait.ge [sflag:s14], $0x2000  }
0x45: {  	[sflag:s14] =	ssyncset.done $0x0  }
0x46: {  	s24 =	simm.s32 $0x880;
	[sflag:s14] =	ssyncadd.s32 $0xFFFFE000  }
0x47: {  	[tilespmem:s23], [sflag:$0x8] =	stream.indirect.gather.add.f32 [hbm:s3], $0x40, s24, s7, $0xb8;
	[tilespmem:$0x1C400] =	vst v63  }
0x48: {  	_ =	swait.ge [sflag:s16], $0x2000  }
0x49: {  	[sflag:s16] =	ssyncset.done $0x0  }
0x4a: {  	s26 =	simm.s32 $0x900;
	[sflag:s16] =	ssyncadd.s32 $0xFFFFE000  }
0x4b: {  	[tilespmem:s25], [sflag:$0x9] =	stream.indirect.gather.add.f32 [hbm:s3], $0x40, s26, s7, $0xb8;
	[tilespmem:$0x1C400] =	vst v63  }
0x4c: {  	_ =	swait.ge [sflag:s18], $0x2000  }
0x4d: {  	[sflag:s18] =	ssyncset.done $0x0  }
0x4e: {  	s20 =	simm.s32 $0x1400;
	s24 =	simm.s32 $0x980;
	[sflag:s18] =	ssyncadd.s32 $0xFFFFE000  }
.LBB2_2:
0x4f: {  	[tilespmem:s28], [sflag:$0xA] =	stream.indirect.gather.add.f32 [hbm:s3], $0x40, s24, s7, $0xb8;
	[tilespmem:$0x1C400] =	vst v63  }
0x50: {  	s24 =	smov.u32 s20  }
0x51: {  	p0 =	sne.s32 s20, $0x16800;
	s20 =	sadd.s32 $0x1400, s20;
	_ =	swait.ge [sflag:s29], $0x2000  }
0x52: {  	s24 =	sshra.s32 s24, $0x2;
	[sflag:s29] =	ssyncset.done $0x0  }
0x53: {  	s26 =	sadd.s32 $0x500, s24;
	[sflag:s29] =	ssyncadd.s32 $0xFFFFE000  }
0x54: {  	[tilespmem:s10], [sflag:$0x1] =	stream.indirect.gather.add.f32 [hbm:s3], $0x40, s26, s7, $0xb8;
	[tilespmem:$0x1C400] =	vst v63  }
0x55: {  	_ =	swait.ge [sflag:s30], $0x2000  }
0x56: {  	[sflag:s30] =	ssyncset.done $0x0  }
0x57: {  	s26 =	sadd.s32 $0x580, s24;
	[sflag:s30] =	ssyncadd.s32 $0xFFFFE000  }
0x58: {  	[tilespmem:s11], [sflag:$0x2] =	stream.indirect.gather.add.f32 [hbm:s3], $0x40, s26, s7, $0xb8;
	[tilespmem:$0x1C400] =	vst v63  }
0x59: {  	_ =	swait.ge [sflag:s31], $0x2000  }
0x5a: {  	[sflag:s31] =	ssyncset.done $0x0  }
0x5b: {  	s26 =	sadd.s32 $0x600, s24;
	[sflag:s31] =	ssyncadd.s32 $0xFFFFE000  }
0x5c: {  	[tilespmem:s13], [sflag:$0x3] =	stream.indirect.gather.add.f32 [hbm:s3], $0x40, s26, s7, $0xb8;
	[tilespmem:$0x1C400] =	vst v63  }
0x5d: {  	_ =	swait.ge [sflag:s0], $0x2000  }
0x5e: {  	[sflag:s0] =	ssyncset.done $0x0  }
0x5f: {  	s26 =	sadd.s32 $0x680, s24;
	[sflag:s0] =	ssyncadd.s32 $0xFFFFE000  }
0x60: {  	[tilespmem:s15], [sflag:$0x4] =	stream.indirect.gather.add.f32 [hbm:s3], $0x40, s26, s7, $0xb8;
	[tilespmem:$0x1C400] =	vst v63  }
0x61: {  	_ =	swait.ge [sflag:s1], $0x2000  }
0x62: {  	[sflag:s1] =	ssyncset.done $0x0  }
0x63: {  	s26 =	sadd.s32 $0x700, s24;
	[sflag:s1] =	ssyncadd.s32 $0xFFFFE000  }
0x64: {  	[tilespmem:s17], [sflag:$0x5] =	stream.indirect.gather.add.f32 [hbm:s3], $0x40, s26, s7, $0xb8;
	[tilespmem:$0x1C400] =	vst v63  }
0x65: {  	_ =	swait.ge [sflag:s8], $0x2000  }
0x66: {  	[sflag:s8] =	ssyncset.done $0x0  }
0x67: {  	s26 =	sadd.s32 $0x780, s24;
	[sflag:s8] =	ssyncadd.s32 $0xFFFFE000  }
0x68: {  	[tilespmem:s19], [sflag:$0x6] =	stream.indirect.gather.add.f32 [hbm:s3], $0x40, s26, s7, $0xb8;
	[tilespmem:$0x1C400] =	vst v63  }
0x69: {  	_ =	swait.ge [sflag:s12], $0x2000  }
0x6a: {  	[sflag:s12] =	ssyncset.done $0x0  }
0x6b: {  	s26 =	sadd.s32 $0x800, s24;
	[sflag:s12] =	ssyncadd.s32 $0xFFFFE000  }
0x6c: {  	[tilespmem:s21], [sflag:$0x7] =	stream.indirect.gather.add.f32 [hbm:s3], $0x40, s26, s7, $0xb8;
	[tilespmem:$0x1C400] =	vst v63  }
0x6d: {  	_ =	swait.ge [sflag:s14], $0x2000  }
0x6e: {  	[sflag:s14] =	ssyncset.done $0x0  }
0x6f: {  	s26 =	sadd.s32 $0x880, s24;
	[sflag:s14] =	ssyncadd.s32 $0xFFFFE000  }
0x70: {  	[tilespmem:s23], [sflag:$0x8] =	stream.indirect.gather.add.f32 [hbm:s3], $0x40, s26, s7, $0xb8;
	[tilespmem:$0x1C400] =	vst v63  }
0x71: {  	_ =	swait.ge [sflag:s16], $0x2000  }
0x72: {  	[sflag:s16] =	ssyncset.done $0x0  }
.Ltmp0:
0x73: {  	s26 =	sadd.s32 $0x900, s24;
	[sflag:s16] =	ssyncadd.s32 $0xFFFFE000;
	(pc) =	sbr.rel @p0 .LBB2_2-.Ltmp0, $4  }
0x74: {  	[tilespmem:s25], [sflag:$0x9] =	stream.indirect.gather.add.f32 [hbm:s3], $0x40, s26, s7, $0xb8;
	[tilespmem:$0x1C400] =	vst v63  }
0x75: {  	_ =	swait.ge [sflag:s18], $0x2000  }
0x76: {  	[sflag:s18] =	ssyncset.done $0x0  }
0x77: {  	s24 =	sadd.s32 $0x980, s24;
	[sflag:s18] =	ssyncadd.s32 $0xFFFFE000  }
0x78: {  	[tilespmem:s28], [sflag:$0xA] =	stream.indirect.gather.add.f32 [hbm:s3], $0x40, s24, s7, $0xb8;
	[tilespmem:$0x1C400] =	vst v63  }
0x79: {  	_ =	swait.ge [sflag:s29], $0x2000  }
0x7a: {  	[sflag:s29] =	ssyncset.done $0x0  }
0x7b: {  	[sflag:s29] =	ssyncadd.s32 $0xFFFFE000  }
0x7c: {  	_ =	swait.ge [sflag:s30], $0x2000  }
0x7d: {  	[sflag:s30] =	ssyncset.done $0x0  }
0x7e: {  	[sflag:s30] =	ssyncadd.s32 $0xFFFFE000  }
0x7f: {  	_ =	swait.ge [sflag:s31], $0x2000  }
0x80: {  	[sflag:s31] =	ssyncset.done $0x0  }
0x81: {  	[sflag:s31] =	ssyncadd.s32 $0xFFFFE000  }
0x82: {  	_ =	swait.ge [sflag:s0], $0x2000  }
0x83: {  	[sflag:s0] =	ssyncset.done $0x0  }
0x84: {  	[sflag:s0] =	ssyncadd.s32 $0xFFFFE000  }
0x85: {  	_ =	swait.ge [sflag:s1], $0x2000  }
0x86: {  	[sflag:s1] =	ssyncset.done $0x0  }
0x87: {  	[sflag:s1] =	ssyncadd.s32 $0xFFFFE000  }
0x88: {  	_ =	swait.ge [sflag:s8], $0x2000  }
0x89: {  	[sflag:s8] =	ssyncset.done $0x0  }
0x8a: {  	[sflag:s8] =	ssyncadd.s32 $0xFFFFE000  }
0x8b: {  	_ =	swait.ge [sflag:s12], $0x2000  }
0x8c: {  	[sflag:s12] =	ssyncset.done $0x0  }
0x8d: {  	[sflag:s12] =	ssyncadd.s32 $0xFFFFE000  }
0x8e: {  	_ =	swait.ge [sflag:s14], $0x2000  }
0x8f: {  	[sflag:s14] =	ssyncset.done $0x0  }
0x90: {  	[sflag:s14] =	ssyncadd.s32 $0xFFFFE000  }
0x91: {  	_ =	swait.ge [sflag:s16], $0x2000  }
0x92: {  	[sflag:s16] =	ssyncset.done $0x0  }
0x93: {  	[sflag:s16] =	ssyncadd.s32 $0xFFFFE000  }
0x94: {  	_ =	swait.ge [sflag:s18], $0x2000  }
0x95: {  	[sflag:s18] =	ssyncset.done $0x0  }
0x96: {  	s24 =	simm.s32 $0x0;
	[sflag:s18] =	ssyncadd.s32 $0xFFFFE000  }
0x97: {  	v0 =	vld [tilespmem:s24+$0x6430]  }
0x98: {  	v1 =	vld [tilespmem:s24+$0x8430]  }
0x99: {  	v2 =	vld [tilespmem:s24+$0x6400]  }
0x9a: {  	v3 =	vld [tilespmem:s24+$0xA430]  }
0x9b: {  	v4 =	vld [tilespmem:s24+$0x8400]  }
0x9c: {  	v5 =	vld [tilespmem:s24+$0xC430]  }
0x9d: {  	v6 =	vld [tilespmem:s24+$0x6410]  }
0x9e: {  	v7 =	vld [tilespmem:s24+$0x8410]  }
0x9f: {  	v8 =	vld [tilespmem:s24+$0x6420]  }
0xa0: {  	v9 =	vld [tilespmem:s24+$0x8420]  }
0xa1: {  	v10 =	vld [tilespmem:s24+$0xA400]  }
0xa2: {  	v11 =	vld [tilespmem:s24+$0xA410];
	v0 =	vadd.f32 v1, v0  }
0xa3: {  	v1 =	vld [tilespmem:s24+$0xE430]  }
0xa4: {  	v12 =	vld [tilespmem:s24+$0xA420];
	v0 =	vadd.f32 v3, v0  }
0xa5: {  	v3 =	vld [tilespmem:s24+$0x10430]  }
0xa6: {  	v13 =	vld [tilespmem:s24+$0xC410];
	v0 =	vadd.f32 v5, v0  }
0xa7: {  	v5 =	vld [tilespmem:s24+$0x12430]  }
0xa8: {  	v14 =	vld [tilespmem:s24+$0xE400];
	v0 =	vadd.f32 v1, v0  }
0xa9: {  	v1 =	vld [tilespmem:s24+$0x14430]  }
0xaa: {  	v15 =	vld [tilespmem:s24+$0xE420];
	v0 =	vadd.f32 v3, v0  }
0xab: {  	v3 =	vld [tilespmem:s24+$0x16430]  }
0xac: {  	v60 =	vld [tilespmem:s24+$0x12400];
	v0 =	vadd.f32 v5, v0  }
0xad: {  	v5 =	vld [tilespmem:s24+$0x18430]  }
0xae: {  	v61 =	vld [tilespmem:s24+$0x12410];
	v0 =	vadd.f32 v1, v0  }
0xaf: {  	v62 =	vld [tilespmem:s24+$0x14420]  }
0xb0: {  	v1 =	vld [tilespmem:s24+$0xC400];
	v0 =	vadd.f32 v3, v0  }
0xb1: {  	v2 =	vadd.f32 v4, v2;
	v4 =	vadd.f32 v7, v6;
	v3 =	vld [tilespmem:s24+$0xC420]  }
0xb2: {  	v7 =	vadd.f32 v9, v8;
	v0 =	vadd.f32 v5, v0;
	v5 =	vld [tilespmem:s24+$0xE410]  }
0xb3: {  	v6 =	vld [tilespmem:s24+$0x10410];
	v2 =	vadd.f32 v10, v2;
	v4 =	vadd.f32 v11, v4  }
0xb4: {  	v7 =	vadd.f32 v12, v7;
	[tilespmem:s24+$0x1A430] =	vst v0;
	v0 =	vld [tilespmem:s24+$0x10400]  }
0xb5: {  	v8 =	vld [tilespmem:s24+$0x10420];
	v1 =	vadd.f32 v1, v2;
	v2 =	vadd.f32 v13, v4  }
0xb6: {  	v4 =	vld [tilespmem:s24+$0x12420];
	v3 =	vadd.f32 v3, v7  }
0xb7: {  	v7 =	vld [tilespmem:s24+$0x14400];
	v1 =	vadd.f32 v14, v1;
	v2 =	vadd.f32 v5, v2  }
0xb8: {  	v5 =	vld [tilespmem:s24+$0x14410];
	v3 =	vadd.f32 v15, v3  }
0xb9: {  	v0 =	vadd.f32 v0, v1;
	v1 =	vadd.f32 v6, v2;
	v6 =	vld [tilespmem:s24+$0x16400]  }
0xba: {  	v2 =	vadd.f32 v8, v3;
	v8 =	vld [tilespmem:s24+$0x16410]  }
0xbb: {  	v0 =	vadd.f32 v60, v0;
	v63 =	vadd.f32 v61, v1;
	v1 =	vld [tilespmem:s24+$0x16420]  }
0xbc: {  	v3 =	vld [tilespmem:s24+$0x18400];
	v4 =	vadd.f32 v4, v2  }
0xbd: {  	v2 =	vld [tilespmem:s24+$0x18410];
	v0 =	vadd.f32 v7, v0;
	v7 =	vadd.f32 v5, v63  }
0xbe: {  	s20 =	simm.s32 $0x40;
	v5 =	vadd.f32 v62, v4;
	v4 =	vld [tilespmem:s24+$0x18420]  }
0xbf: {  	s26 =	simm.s32 $0x200;
	v6 =	vadd.f32 v6, v0;
	v0 =	vld [tilespmem:s20+$0x6430];
	v7 =	vadd.f32 v8, v7  }
.LBB2_4:
0xc0: {  	p0 =	sne.s32 s26, $0x7F00;
	v8 =	vld [tilespmem:s20+$0x8430];
	v1 =	vadd.f32 v1, v5  }
0xc1: {  	v5 =	vld [tilespmem:s20+$0x6400];
	v3 =	vadd.f32 v3, v6  }
0xc2: {  	v6 =	vld [tilespmem:s20+$0xA430];
	v2 =	vadd.f32 v2, v7  }
0xc3: {  	v7 =	vld [tilespmem:s20+$0x8400];
	[tilespmem:s24+$0x1A400] =	vst v3;
	v1 =	vadd.f32 v4, v1  }
0xc4: {  	v3 =	vld [tilespmem:s20+$0xC430];
	[tilespmem:s24+$0x1A410] =	vst v2  }
0xc5: {  	v2 =	vld [tilespmem:s20+$0x6410];
	v0 =	vadd.f32 v8, v0;
	[tilespmem:s24+$0x1A420] =	vst v1;
	s24 =	smov.u32 s20  }
0xc6: {  	v1 =	vld [tilespmem:s24+$0xE430]  }
0xc7: {  	v4 =	vld [tilespmem:s24+$0x8410];
	v0 =	vadd.f32 v6, v0  }
0xc8: {  	v5 =	vadd.f32 v7, v5;
	v6 =	vld [tilespmem:s24+$0x10430]  }
0xc9: {  	v7 =	vld [tilespmem:s24+$0x6420];
	v0 =	vadd.f32 v3, v0  }
0xca: {  	v3 =	vld [tilespmem:s24+$0x12430]  }
0xcb: {  	v8 =	vld [tilespmem:s24+$0x8420];
	v0 =	vadd.f32 v1, v0  }
0xcc: {  	v1 =	vadd.f32 v4, v2;
	v2 =	vld [tilespmem:s24+$0x14430]  }
0xcd: {  	v4 =	vld [tilespmem:s24+$0xA400];
	v0 =	vadd.f32 v6, v0  }
0xce: {  	v6 =	vld [tilespmem:s24+$0x16430]  }
0xcf: {  	v9 =	vld [tilespmem:s24+$0xA410];
	v0 =	vadd.f32 v3, v0  }
0xd0: {  	v3 =	vadd.f32 v8, v7;
	v7 =	vld [tilespmem:s24+$0x18430]  }
0xd1: {  	v8 =	vld [tilespmem:s24+$0xA420];
	v0 =	vadd.f32 v2, v0  }
0xd2: {  	v2 =	vadd.f32 v4, v5;
	v4 =	vld [tilespmem:s24+$0xC400]  }
0xd3: {  	v5 =	vld [tilespmem:s24+$0xC410];
	v0 =	vadd.f32 v6, v0  }
0xd4: {  	v1 =	vadd.f32 v9, v1;
	v6 =	vld [tilespmem:s24+$0xC420]  }
0xd5: {  	v9 =	vld [tilespmem:s24+$0xE400];
	v0 =	vadd.f32 v7, v0  }
0xd6: {  	v7 =	vld [tilespmem:s24+$0xE410];
	v3 =	vadd.f32 v8, v3  }
0xd7: {  	v2 =	vadd.f32 v4, v2;
	v4 =	vld [tilespmem:s24+$0xE420];
	[tilespmem:s24+$0x1A430] =	vst v0  }
0xd8: {  	v0 =	vld [tilespmem:s24+$0x10400];
	v1 =	vadd.f32 v5, v1  }
0xd9: {  	v5 =	vld [tilespmem:s24+$0x10410];
	v3 =	vadd.f32 v6, v3  }
0xda: {  	v2 =	vadd.f32 v9, v2;
	v6 =	vld [tilespmem:s24+$0x10420]  }
0xdb: {  	v8 =	vld [tilespmem:s24+$0x12400];
	v1 =	vadd.f32 v7, v1  }
0xdc: {  	v7 =	vld [tilespmem:s24+$0x12410];
	v3 =	vadd.f32 v4, v3  }
0xdd: {  	v0 =	vadd.f32 v0, v2;
	v2 =	vld [tilespmem:s24+$0x12420]  }
0xde: {  	v4 =	vld [tilespmem:s24+$0x14400];
	v1 =	vadd.f32 v5, v1  }
0xdf: {  	v5 =	vld [tilespmem:s24+$0x14410];
	v3 =	vadd.f32 v6, v3  }
0xe0: {  	v0 =	vadd.f32 v8, v0;
	v6 =	vld [tilespmem:s24+$0x14420]  }
0xe1: {  	v8 =	vld [tilespmem:s24+$0x16400];
	v7 =	vadd.f32 v7, v1  }
0xe2: {  	v9 =	vld [tilespmem:s24+$0x16410];
	v10 =	vadd.f32 v2, v3  }
.Ltmp1:
0xe3: {  	v0 =	vadd.f32 v4, v0;
	v1 =	vld [tilespmem:s24+$0x16420];
	(pc) =	sbr.rel @p0 .LBB2_4-.Ltmp1, $4  }
0xe4: {  	v3 =	vld [tilespmem:s24+$0x18400];
	v7 =	vadd.f32 v5, v7  }
0xe5: {  	v2 =	vld [tilespmem:s24+$0x18410];
	v5 =	vadd.f32 v6, v10  }
0xe6: {  	s20 =	sshra.s32 s26, $0x2;
	v6 =	vadd.f32 v8, v0;
	v4 =	vld [tilespmem:s24+$0x18420]  }
0xe7: {  	s26 =	sadd.s32 $0x100, s26;
	v0 =	vld [tilespmem:s20+$0x6430];
	v7 =	vadd.f32 v9, v7  }
0xe8: {  	v8 =	vld [tilespmem:s20+$0x8430]  }
0xe9: {  	v9 =	vld [tilespmem:s20+$0x6400];
	v1 =	vadd.f32 v1, v5;
	v3 =	vadd.f32 v3, v6  }
0xea: {  	v32 =	vld [tilespmem:s20+$0xA430];
	v2 =	vadd.f32 v2, v7  }
0xeb: {  	v10 =	vld [tilespmem:s20+$0x8400];
	[tilespmem:s24+$0x1A400] =	vst v3;
	v1 =	vadd.f32 v4, v1  }
0xec: {  	v3 =	vld [tilespmem:s20+$0xC430];
	[tilespmem:s24+$0x1A410] =	vst v2  }
0xed: {  	v2 =	vld [tilespmem:s20+$0x6410];
	[tilespmem:s24+$0x1A420] =	vst v1  }
0xee: {  	v1 =	vld [tilespmem:s20+$0xE430]  }
0xef: {  	v33 =	vld [tilespmem:s20+$0x8410]  }
0xf0: {  	v34 =	vld [tilespmem:s20+$0x10430]  }
0xf1: {  	v35 =	vld [tilespmem:s20+$0x6420]  }
0xf2: {  	v36 =	vld [tilespmem:s20+$0x12430]  }
0xf3: {  	v37 =	vld [tilespmem:s20+$0x8420]  }
0xf4: {  	v38 =	vld [tilespmem:s20+$0x14430]  }
0xf5: {  	v39 =	vld [tilespmem:s20+$0xA400]  }
0xf6: {  	v40 =	vld [tilespmem:s20+$0x16430]  }
0xf7: {  	v11 =	vld [tilespmem:s20+$0xA410]  }
0xf8: {  	v41 =	vld [tilespmem:s20+$0x18430]  }
0xf9: {  	v0 =	vadd.f32 v8, v0;
	v12 =	vld [tilespmem:s20+$0xA420]  }
0xfa: {  	v42 =	vld [tilespmem:s20+$0xC400]  }
0xfb: {  	v13 =	vld [tilespmem:s20+$0xC410];
	v0 =	vadd.f32 v32, v0  }
0xfc: {  	v43 =	vld [tilespmem:s20+$0xC420]  }
0xfd: {  	v14 =	vld [tilespmem:s20+$0xE400];
	v0 =	vadd.f32 v3, v0  }
0xfe: {  	v44 =	vld [tilespmem:s20+$0xE410]  }
0xff: {  	v15 =	vld [tilespmem:s20+$0xE420];
	v0 =	vadd.f32 v1, v0  }
0x100: {  	v45 =	vld [tilespmem:s20+$0x10400]  }
0x101: {  	v46 =	vld [tilespmem:s20+$0x10410];
	v2 =	vadd.f32 v33, v2;
	v0 =	vadd.f32 v34, v0  }
0x102: {  	v9 =	vadd.f32 v10, v9;
	v47 =	vld [tilespmem:s20+$0x10420];
	v6 =	vadd.f32 v37, v35  }
0x103: {  	v49 =	vld [tilespmem:s20+$0x12400];
	v2 =	vadd.f32 v11, v2;
	v0 =	vadd.f32 v36, v0  }
0x104: {  	v50 =	vld [tilespmem:s20+$0x12410];
	v48 =	vadd.f32 v39, v9;
	v6 =	vadd.f32 v12, v6  }
0x105: {  	v51 =	vld [tilespmem:s20+$0x12420];
	v2 =	vadd.f32 v13, v2;
	v0 =	vadd.f32 v38, v0  }
0x106: {  	v52 =	vld [tilespmem:s20+$0x14400];
	v1 =	vadd.f32 v42, v48;
	v5 =	vadd.f32 v43, v6  }
0x107: {  	v53 =	vld [tilespmem:s20+$0x14410];
	v2 =	vadd.f32 v44, v2;
	v0 =	vadd.f32 v40, v0  }
0x108: {  	v54 =	vld [tilespmem:s20+$0x14420];
	v1 =	vadd.f32 v14, v1;
	v5 =	vadd.f32 v15, v5  }
0x109: {  	v55 =	vld [tilespmem:s20+$0x16400];
	v2 =	vadd.f32 v46, v2;
	v0 =	vadd.f32 v41, v0  }
0x10a: {  	v56 =	vld [tilespmem:s20+$0x16410];
	v4 =	vadd.f32 v47, v5  }
0x10b: {  	v57 =	vld [tilespmem:s20+$0x16420];
	v2 =	vadd.f32 v50, v2;
	[tilespmem:s20+$0x1A430] =	vst v0;
	v0 =	vadd.f32 v45, v1  }
0x10c: {  	v59 =	vld [tilespmem:s20+$0x18410];
	v4 =	vadd.f32 v51, v4  }
0x10d: {  	v60 =	vld [tilespmem:s20+$0x18420];
	v2 =	vadd.f32 v53, v2;
	v0 =	vadd.f32 v49, v0  }
0x10e: {  	v58 =	vld [tilespmem:s20+$0x18400];
	v3 =	vadd.f32 v54, v4  }
0x10f: {  	v61 =	vadd.f32 v56, v2;
	v0 =	vadd.f32 v52, v0  }
0x110: {  	v62 =	vadd.f32 v57, v3  }
0x111: {  	v1 =	vadd.f32 v59, v61;
	v0 =	vadd.f32 v55, v0  }
0x112: {  	v63 =	vadd.f32 v60, v62  }
0x113: {  	s22 =	sadd.s32 $0x1, s22;
	[tilespmem:s20+$0x1A410] =	vst v1;
	v0 =	vadd.f32 v58, v0  }
0x114: {  	p0 =	sne.s32 s22, s6;
	[tilespmem:s20+$0x1A420] =	vst v63  }
.Ltmp2:
0x115: {  	s26 =	simm.s32 $0x1A400;
	[tilespmem:s20+$0x1A400] =	vst v0;
	(pc) =	sbr.rel @p0 .LBB2_1-.Ltmp2, $4  }
0x116: {  	[hbm4b:s5+s2] =	stream.linear.scatter [tilespmem:s26], [sflag:$0xB], $0x2000, $0x38;
	[tilespmem:$0x1C400] =	vst v63  }
0x117: {  	_ =	swait.ge [sflag:s9], $0x2000  }
0x118: {  	[sflag:s9] =	ssyncset.done $0x0  }
0x119: {  	[sflag:s9] =	ssyncadd.s32 $0xFFFFE000  }
0x11a: {  	_ =	sfence.sel $0x180000  }
0x11b: {  	[bflag:$0x0] =	sbarrier.arrive $0xFFFF  }
0x11c: {  	_ =	strace $0x90000047  }
0x11d: {  	s0 =	stileid.u32;
	[bflag:$0x2] =	sbarrier.arrive $0xFFFF  }
0x11e: {  	p0 =	sne.s32 s0, $0x0;
	s0 =	rddreg [dreg:$0x1]  }
0x11f: {  	s0 =	sadd.s32 @!p0 $0x100000, s0  }
0x120: {  	[sflag:s0] =	ssyncadd.tile.s32 @!p0 $0x1;
	_ =	shalt  }
.Lfunc_end2:
_tile_overlayer_lowered:
.L_overlay_start_2:
0x121: {  	(tag) =	ssettag $0x2  }
0x122: {  	s0 =	rddreg [dreg:$0x0];
	s2 =	stileid.u32  }
0x123: {  	s1 =	rddreg [dreg:$0x1];
	p0 =	sne.s32 s2, $0x0  }
0x124: {  	s3 =	rddreg [dreg:$0x2];
	[bflag:$0x3] =	sbarrier.arrive $0xFFFF;
	s2 =	simm.s32 @!p0 $0x1C0B  }
0x125: {  	[timem:s3], [sflag:s2] =	dma.local @!p0 [hbm:s0], s1  }
0x126: {  	s0 =	simm.s32 @!p0 $0xB  }
0x127: {  	_ =	swait.ge @!p0 [sflag:s0], s1  }
0x128: {  	s1 =	ssub.s32 @!p0 $0x0, s1;
	[sflag:s0] =	ssyncset.done @!p0 $0x0  }
0x129: {  	[sflag:s0] =	ssyncadd.s32 @!p0 s1  }
0x12a: {  	[bflag:$0x3] =	sbarrier.arrive $0xFFFF  }
0x12b: {  	_ =	shalt  }

</sc_bundles>
